<compile_context>
chip_gen: v7x
topology: tpu7x:2x2x1
jax: 0.10.2.dev20260603
libtpu: 0.0.44.dev20260713+nightly
codegen_flags: <defaults>
</compile_context>

<pallas_src>
import functools

import jax
import jax.numpy as jnp
from jax import lax
from jax.experimental import pallas as pl
from jax.experimental.pallas import tpu as pltpu
from jax.experimental.pallas import tpu_sc as plsc

_NC = 2
_NS = 16
_CH = 32
_NBUF = 3


def _sc_copy(table, B, S, D):
    NW = _NC * _NS
    rows = S // NW
    nchunk = rows // _CH
    mesh = plsc.VectorSubcoreMesh(core_axis_name="c", subcore_axis_name="s")

    @functools.partial(
        pl.kernel,
        out_type=jax.ShapeDtypeStruct((B, S, D), table.dtype),
        mesh=mesh,
        scratch_types=(
            [pltpu.VMEM((_CH, D), table.dtype) for _ in range(_NBUF)]
            + [pltpu.SemaphoreType.DMA, pltpu.SemaphoreType.DMA]
        ),
    )
    def body(table_hbm, out_hbm, *rest):
        bufs, (in_sem, out_sem) = list(rest[:_NBUF]), rest[_NBUF:]
        wid = lax.axis_index("c") * _NS + lax.axis_index("s")
        base = wid * rows

        def start_in(i):
            return pltpu.async_copy(
                table_hbm.at[pl.ds(base + i * _CH, _CH)],
                bufs[i % _NBUF], in_sem)

        P = 2
        in_copies = [None] * nchunk
        out_copies = [None] * nchunk
        drained = [False] * nchunk
        for j in range(min(P, nchunk)):
            in_copies[j] = start_in(j)
        for i in range(nchunk):
            in_copies[i].wait()
            out_copies[i] = [
                pltpu.async_copy(
                    bufs[i % _NBUF],
                    out_hbm.at[b].at[pl.ds(base + i * _CH, _CH)],
                    out_sem)
                for b in range(B)
            ]
            nxt = i + P
            if nxt < nchunk:
                prev_user = nxt - _NBUF
                if prev_user >= 0:
                    for c in out_copies[prev_user]:
                        c.wait()
                    drained[prev_user] = True
                in_copies[nxt] = start_in(nxt)
        for i in range(nchunk):
            if not drained[i]:
                for c in out_copies[i]:
                    c.wait()

    return body(table)


def kernel(x, table):
    B, S, D = x.shape
    return _sc_copy(table, B, S, D)

# --- scband reference (transcript-rebuilt; emitter-appended) ---
"""Pipeline reference for scband-position-encoding-37580963840460 (READ-ONLY COPY).

The authoritative reference and input builder live on the scoring server;
editing this copy changes nothing except your own understanding.
"""

import jax, jax.numpy as jnp
import numpy as np

D_MODEL = 1024
MAX_LEN = 8192
BATCH = 4
SEQ = 8192

def setup_inputs(seed: int = 0) -> dict:
    key = jax.random.key(seed)
    k1, k2 = jax.random.split(key)
    x = jax.random.normal(k1, (BATCH, SEQ, D_MODEL), dtype=jnp.float32)
    # learned positional embedding table: num_embeddings = max_len + 1
    table = jax.random.normal(k2, (MAX_LEN + 1, D_MODEL), dtype=jnp.float32) * 0.02
    return {"x": x, "table": table}

def reference(x, table):
    # BertEmbedding.forward: pos_idx = arange(seq_len) repeated over batch, then embedding lookup
    B = x.shape[0]
    S = x.shape[1]
    pos_idx = jnp.arange(0, S, dtype=jnp.int32)
    pos_idx = pos_idx.reshape(1, -1)
    pos_idx = jnp.tile(pos_idx, (B, 1))  # [B, S]
    out = jnp.take(table, pos_idx, axis=0)  # [B, S, d_model]
    return out

if __name__ == "__main__":
    import jax
    _d = setup_inputs()
    print(jax.jit(kernel)(*tuple(_d.values())))

</pallas_src>

<mosaic_0001>
#map = affine_map<(d0, d1) -> (0, 0)>
#map1 = affine_map<(d0, d1) -> (0, 0, 0)>
module attributes {stable_mosaic.version = 14 : i64} {
  func.func @body(%arg0: i32, %arg1: i32, %arg2: memref<8193x1024xf32, #tpu.memory_space<hbm>>, %arg3: memref<4x8192x1024xf32, #tpu.memory_space<hbm>>, %arg4: memref<32x1024xf32, #tpu.memory_space<vmem>>, %arg5: memref<32x1024xf32, #tpu.memory_space<vmem>>, %arg6: memref<32x1024xf32, #tpu.memory_space<vmem>>, %arg7: memref<!tpu.dma_semaphore, #tpu.memory_space<semaphore_mem>>, %arg8: memref<!tpu.dma_semaphore, #tpu.memory_space<semaphore_mem>>) attributes {dimension_semantics = [#tpu.dimension_semantics<core_parallel>, #tpu.dimension_semantics<subcore_parallel>], iteration_bounds = array<i64: 2, 16>, scalar_prefetch = 0 : i64, scratch_operands = 5 : i64, tpu.core_type = #tpu.core_type<sc_vector_subcore>, window_params = [{transform_indices = #map}, {transform_indices = #map1}]} {
    %mul3A = arith.constant 16 : i32
    %mul3A_0 = arith.muli %arg0, %mul3A : i32
    %add3A = arith.addi %mul3A_0, %arg1 : i32
    %mul3A_1 = arith.constant 256 : i32
    %mul3A_2 = arith.muli %add3A, %mul3A_1 : i32
    %add3A_3 = arith.constant 0 : i32
    %add3A_4 = arith.addi %mul3A_2, %add3A_3 : i32
    %dma_start3A = arith.constant 0 : i32
    %dma_start3A_5 = tpu.memref_slice %arg2[%add3A_4, %dma_start3A] : memref<8193x1024xf32, #tpu.memory_space<hbm>> -> memref<32x1024xf32, #tpu.memory_space<hbm>>
    %dma_start3A_6 = arith.constant 0 : i32
    %dma_start3A_7 = tpu.memref_slice %arg2[%add3A_4, %dma_start3A_6] : memref<8193x1024xf32, #tpu.memory_space<hbm>> -> memref<32x1024xf32, #tpu.memory_space<hbm>>
    tpu.enqueue_dma source(%dma_start3A_7 : memref<32x1024xf32, #tpu.memory_space<hbm>>) target(%arg4 : memref<32x1024xf32, #tpu.memory_space<vmem>>) target_semaphore(%arg7 : memref<!tpu.dma_semaphore, #tpu.memory_space<semaphore_mem>>)
    %add3A_8 = arith.constant 32 : i32
    %add3A_9 = arith.addi %mul3A_2, %add3A_8 : i32
    %dma_start3A_10 = arith.constant 0 : i32
    %dma_start3A_11 = tpu.memref_slice %arg2[%add3A_9, %dma_start3A_10] : memref<8193x1024xf32, #tpu.memory_space<hbm>> -> memref<32x1024xf32, #tpu.memory_space<hbm>>
    %dma_start3A_12 = arith.constant 0 : i32
    %dma_start3A_13 = tpu.memref_slice %arg2[%add3A_9, %dma_start3A_12] : memref<8193x1024xf32, #tpu.memory_space<hbm>> -> memref<32x1024xf32, #tpu.memory_space<hbm>>
    tpu.enqueue_dma source(%dma_start3A_13 : memref<32x1024xf32, #tpu.memory_space<hbm>>) target(%arg5 : memref<32x1024xf32, #tpu.memory_space<vmem>>) target_semaphore(%arg7 : memref<!tpu.dma_semaphore, #tpu.memory_space<semaphore_mem>>)
    %dma_wait3A = arith.constant 0 : i32
    %dma_wait3A_14 = tpu.memref_slice %arg2[%add3A_4, %dma_wait3A] : memref<8193x1024xf32, #tpu.memory_space<hbm>> -> memref<32x1024xf32, #tpu.memory_space<hbm>>
    %dma_wait3A_15 = arith.constant 0 : i32
    %dma_wait3A_16 = tpu.memref_slice %arg2[%add3A_4, %dma_wait3A_15] : memref<8193x1024xf32, #tpu.memory_space<hbm>> -> memref<32x1024xf32, #tpu.memory_space<hbm>>
    tpu.wait_dma2 semaphore(%arg7 : memref<!tpu.dma_semaphore, #tpu.memory_space<semaphore_mem>>) src(%dma_wait3A_16 : memref<32x1024xf32, #tpu.memory_space<hbm>>) dst(%arg4 : memref<32x1024xf32, #tpu.memory_space<vmem>>)
    %add3A_17 = arith.constant 0 : i32
    %add3A_18 = arith.addi %mul3A_2, %add3A_17 : i32
    %dma_start3A_19 = arith.constant 0 : i32
    %dma_start3A_20 = arith.constant 0 : i32
    %dma_start3A_21 = arith.constant 0 : i32
    %dma_start3A_22 = tpu.memref_slice %arg3[%dma_start3A_19, %dma_start3A_20, %dma_start3A_21] : memref<4x8192x1024xf32, #tpu.memory_space<hbm>> -> memref<1x8192x1024xf32, #tpu.memory_space<hbm>>
    %dma_start3A_23 = tpu.memref_squeeze %dma_start3A_22 : memref<1x8192x1024xf32, #tpu.memory_space<hbm>> -> memref<8192x1024xf32, #tpu.memory_space<hbm>>
    %dma_start3A_24 = arith.constant 0 : i32
    %dma_start3A_25 = tpu.memref_slice %dma_start3A_23[%add3A_18, %dma_start3A_24] : memref<8192x1024xf32, #tpu.memory_space<hbm>> -> memref<32x1024xf32, #tpu.memory_space<hbm>>
    %dma_start3A_26 = arith.constant 0 : i32
    %dma_start3A_27 = arith.constant 0 : i32
    %dma_start3A_28 = tpu.memref_slice %arg3[%dma_start3A_19, %dma_start3A_26, %dma_start3A_27] : memref<4x8192x1024xf32, #tpu.memory_space<hbm>> -> memref<1x8192x1024xf32, #tpu.memory_space<hbm>>
    %dma_start3A_29 = tpu.memref_squeeze %dma_start3A_28 : memref<1x8192x1024xf32, #tpu.memory_space<hbm>> -> memref<8192x1024xf32, #tpu.memory_space<hbm>>
    %dma_start3A_30 = arith.constant 0 : i32
    %dma_start3A_31 = tpu.memref_slice %dma_start3A_29[%add3A_18, %dma_start3A_30] : memref<8192x1024xf32, #tpu.memory_space<hbm>> -> memref<32x1024xf32, #tpu.memory_space<hbm>>
    tpu.enqueue_dma source(%arg4 : memref<32x1024xf32, #tpu.memory_space<vmem>>) target(%dma_start3A_31 : memref<32x1024xf32, #tpu.memory_space<hbm>>) target_semaphore(%arg8 : memref<!tpu.dma_semaphore, #tpu.memory_space<semaphore_mem>>)
    %add3A_32 = arith.constant 0 : i32
    %add3A_33 = arith.addi %mul3A_2, %add3A_32 : i32
    %dma_start3A_34 = arith.constant 1 : i32
    %dma_start3A_35 = arith.constant 0 : i32
    %dma_start3A_36 = arith.constant 0 : i32
    %dma_start3A_37 = tpu.memref_slice %arg3[%dma_start3A_34, %dma_start3A_35, %dma_start3A_36] : memref<4x8192x1024xf32, #tpu.memory_space<hbm>> -> memref<1x8192x1024xf32, #tpu.memory_space<hbm>>
    %dma_start3A_38 = tpu.memref_squeeze %dma_start3A_37 : memref<1x8192x1024xf32, #tpu.memory_space<hbm>> -> memref<8192x1024xf32, #tpu.memory_space<hbm>>
    %dma_start3A_39 = arith.constant 0 : i32
    %dma_start3A_40 = tpu.memref_slice %dma_start3A_38[%add3A_33, %dma_start3A_39] : memref<8192x1024xf32, #tpu.memory_space<hbm>> -> memref<32x1024xf32, #tpu.memory_space<hbm>>
    %dma_start3A_41 = arith.constant 0 : i32
    %dma_start3A_42 = arith.constant 0 : i32
    %dma_start3A_43 = tpu.memref_slice %arg3[%dma_start3A_34, %dma_start3A_41, %dma_start3A_42] : memref<4x8192x1024xf32, #tpu.memory_space<hbm>> -> memref<1x8192x1024xf32, #tpu.memory_space<hbm>>
    %dma_start3A_44 = tpu.memref_squeeze %dma_start3A_43 : memref<1x8192x1024xf32, #tpu.memory_space<hbm>> -> memref<8192x1024xf32, #tpu.memory_space<hbm>>
    %dma_start3A_45 = arith.constant 0 : i32
    %dma_start3A_46 = tpu.memref_slice %dma_start3A_44[%add3A_33, %dma_start3A_45] : memref<8192x1024xf32, #tpu.memory_space<hbm>> -> memref<32x1024xf32, #tpu.memory_space<hbm>>
    tpu.enqueue_dma source(%arg4 : memref<32x1024xf32, #tpu.memory_space<vmem>>) target(%dma_start3A_46 : memref<32x1024xf32, #tpu.memory_space<hbm>>) target_semaphore(%arg8 : memref<!tpu.dma_semaphore, #tpu.memory_space<semaphore_mem>>)
    %add3A_47 = arith.constant 0 : i32
    %add3A_48 = arith.addi %mul3A_2, %add3A_47 : i32
    %dma_start3A_49 = arith.constant 2 : i32
    %dma_start3A_50 = arith.constant 0 : i32
    %dma_start3A_51 = arith.constant 0 : i32
    %dma_start3A_52 = tpu.memref_slice %arg3[%dma_start3A_49, %dma_start3A_50, %dma_start3A_51] : memref<4x8192x1024xf32, #tpu.memory_space<hbm>> -> memref<1x8192x1024xf32, #tpu.memory_space<hbm>>
    %dma_start3A_53 = tpu.memref_squeeze %dma_start3A_52 : memref<1x8192x1024xf32, #tpu.memory_space<hbm>> -> memref<8192x1024xf32, #tpu.memory_space<hbm>>
    %dma_start3A_54 = arith.constant 0 : i32
    %dma_start3A_55 = tpu.memref_slice %dma_start3A_53[%add3A_48, %dma_start3A_54] : memref<8192x1024xf32, #tpu.memory_space<hbm>> -> memref<32x1024xf32, #tpu.memory_space<hbm>>
    %dma_start3A_56 = arith.constant 0 : i32
    %dma_start3A_57 = arith.constant 0 : i32
    %dma_start3A_58 = tpu.memref_slice %arg3[%dma_start3A_49, %dma_start3A_56, %dma_start3A_57] : memref<4x8192x1024xf32, #tpu.memory_space<hbm>> -> memref<1x8192x1024xf32, #tpu.memory_space<hbm>>
    %dma_start3A_59 = tpu.memref_squeeze %dma_start3A_58 : memref<1x8192x1024xf32, #tpu.memory_space<hbm>> -> memref<8192x1024xf32, #tpu.memory_space<hbm>>
    %dma_start3A_60 = arith.constant 0 : i32
    %dma_start3A_61 = tpu.memref_slice %dma_start3A_59[%add3A_48, %dma_start3A_60] : memref<8192x1024xf32, #tpu.memory_space<hbm>> -> memref<32x1024xf32, #tpu.memory_space<hbm>>
    tpu.enqueue_dma source(%arg4 : memref<32x1024xf32, #tpu.memory_space<vmem>>) target(%dma_start3A_61 : memref<32x1024xf32, #tpu.memory_space<hbm>>) target_semaphore(%arg8 : memref<!tpu.dma_semaphore, #tpu.memory_space<semaphore_mem>>)
    %add3A_62 = arith.constant 0 : i32
    %add3A_63 = arith.addi %mul3A_2, %add3A_62 : i32
    %dma_start3A_64 = arith.constant 3 : i32
    %dma_start3A_65 = arith.constant 0 : i32
    %dma_start3A_66 = arith.constant 0 : i32
    %dma_start3A_67 = tpu.memref_slice %arg3[%dma_start3A_64, %dma_start3A_65, %dma_start3A_66] : memref<4x8192x1024xf32, #tpu.memory_space<hbm>> -> memref<1x8192x1024xf32, #tpu.memory_space<hbm>>
    %dma_start3A_68 = tpu.memref_squeeze %dma_start3A_67 : memref<1x8192x1024xf32, #tpu.memory_space<hbm>> -> memref<8192x1024xf32, #tpu.memory_space<hbm>>
    %dma_start3A_69 = arith.constant 0 : i32
    %dma_start3A_70 = tpu.memref_slice %dma_start3A_68[%add3A_63, %dma_start3A_69] : memref<8192x1024xf32, #tpu.memory_space<hbm>> -> memref<32x1024xf32, #tpu.memory_space<hbm>>
    %dma_start3A_71 = arith.constant 0 : i32
    %dma_start3A_72 = arith.constant 0 : i32
    %dma_start3A_73 = tpu.memref_slice %arg3[%dma_start3A_64, %dma_start3A_71, %dma_start3A_72] : memref<4x8192x1024xf32, #tpu.memory_space<hbm>> -> memref<1x8192x1024xf32, #tpu.memory_space<hbm>>
    %dma_start3A_74 = tpu.memref_squeeze %dma_start3A_73 : memref<1x8192x1024xf32, #tpu.memory_space<hbm>> -> memref<8192x1024xf32, #tpu.memory_space<hbm>>
    %dma_start3A_75 = arith.constant 0 : i32
    %dma_start3A_76 = tpu.memref_slice %dma_start3A_74[%add3A_63, %dma_start3A_75] : memref<8192x1024xf32, #tpu.memory_space<hbm>> -> memref<32x1024xf32, #tpu.memory_space<hbm>>
    tpu.enqueue_dma source(%arg4 : memref<32x1024xf32, #tpu.memory_space<vmem>>) target(%dma_start3A_76 : memref<32x1024xf32, #tpu.memory_space<hbm>>) target_semaphore(%arg8 : memref<!tpu.dma_semaphore, #tpu.memory_space<semaphore_mem>>)
    %add3A_77 = arith.constant 64 : i32
    %add3A_78 = arith.addi %mul3A_2, %add3A_77 : i32
    %dma_start3A_79 = arith.constant 0 : i32
    %dma_start3A_80 = tpu.memref_slice %arg2[%add3A_78, %dma_start3A_79] : memref<8193x1024xf32, #tpu.memory_space<hbm>> -> memref<32x1024xf32, #tpu.memory_space<hbm>>
    %dma_start3A_81 = arith.constant 0 : i32
    %dma_start3A_82 = tpu.memref_slice %arg2[%add3A_78, %dma_start3A_81] : memref<8193x1024xf32, #tpu.memory_space<hbm>> -> memref<32x1024xf32, #tpu.memory_space<hbm>>
    tpu.enqueue_dma source(%dma_start3A_82 : memref<32x1024xf32, #tpu.memory_space<hbm>>) target(%arg6 : memref<32x1024xf32, #tpu.memory_space<vmem>>) target_semaphore(%arg7 : memref<!tpu.dma_semaphore, #tpu.memory_space<semaphore_mem>>)
    %dma_wait3A_83 = arith.constant 0 : i32
    %dma_wait3A_84 = tpu.memref_slice %arg2[%add3A_9, %dma_wait3A_83] : memref<8193x1024xf32, #tpu.memory_space<hbm>> -> memref<32x1024xf32, #tpu.memory_space<hbm>>
    %dma_wait3A_85 = arith.constant 0 : i32
    %dma_wait3A_86 = tpu.memref_slice %arg2[%add3A_9, %dma_wait3A_85] : memref<8193x1024xf32, #tpu.memory_space<hbm>> -> memref<32x1024xf32, #tpu.memory_space<hbm>>
    tpu.wait_dma2 semaphore(%arg7 : memref<!tpu.dma_semaphore, #tpu.memory_space<semaphore_mem>>) src(%dma_wait3A_86 : memref<32x1024xf32, #tpu.memory_space<hbm>>) dst(%arg5 : memref<32x1024xf32, #tpu.memory_space<vmem>>)
    %add3A_87 = arith.constant 32 : i32
    %add3A_88 = arith.addi %mul3A_2, %add3A_87 : i32
    %dma_start3A_89 = arith.constant 0 : i32
    %dma_start3A_90 = arith.constant 0 : i32
    %dma_start3A_91 = arith.constant 0 : i32
    %dma_start3A_92 = tpu.memref_slice %arg3[%dma_start3A_89, %dma_start3A_90, %dma_start3A_91] : memref<4x8192x1024xf32, #tpu.memory_space<hbm>> -> memref<1x8192x1024xf32, #tpu.memory_space<hbm>>
    %dma_start3A_93 = tpu.memref_squeeze %dma_start3A_92 : memref<1x8192x1024xf32, #tpu.memory_space<hbm>> -> memref<8192x1024xf32, #tpu.memory_space<hbm>>
    %dma_start3A_94 = arith.constant 0 : i32
    %dma_start3A_95 = tpu.memref_slice %dma_start3A_93[%add3A_88, %dma_start3A_94] : memref<8192x1024xf32, #tpu.memory_space<hbm>> -> memref<32x1024xf32, #tpu.memory_space<hbm>>
    %dma_start3A_96 = arith.constant 0 : i32
    %dma_start3A_97 = arith.constant 0 : i32
    %dma_start3A_98 = tpu.memref_slice %arg3[%dma_start3A_89, %dma_start3A_96, %dma_start3A_97] : memref<4x8192x1024xf32, #tpu.memory_space<hbm>> -> memref<1x8192x1024xf32, #tpu.memory_space<hbm>>
    %dma_start3A_99 = tpu.memref_squeeze %dma_start3A_98 : memref<1x8192x1024xf32, #tpu.memory_space<hbm>> -> memref<8192x1024xf32, #tpu.memory_space<hbm>>
    %dma_start3A_100 = arith.constant 0 : i32
    %dma_start3A_101 = tpu.memref_slice %dma_start3A_99[%add3A_88, %dma_start3A_100] : memref<8192x1024xf32, #tpu.memory_space<hbm>> -> memref<32x1024xf32, #tpu.memory_space<hbm>>
    tpu.enqueue_dma source(%arg5 : memref<32x1024xf32, #tpu.memory_space<vmem>>) target(%dma_start3A_101 : memref<32x1024xf32, #tpu.memory_space<hbm>>) target_semaphore(%arg8 : memref<!tpu.dma_semaphore, #tpu.memory_space<semaphore_mem>>)
    %add3A_102 = arith.constant 32 : i32
    %add3A_103 = arith.addi %mul3A_2, %add3A_102 : i32
    %dma_start3A_104 = arith.constant 1 : i32
    %dma_start3A_105 = arith.constant 0 : i32
    %dma_start3A_106 = arith.constant 0 : i32
    %dma_start3A_107 = tpu.memref_slice %arg3[%dma_start3A_104, %dma_start3A_105, %dma_start3A_106] : memref<4x8192x1024xf32, #tpu.memory_space<hbm>> -> memref<1x8192x1024xf32, #tpu.memory_space<hbm>>
    %dma_start3A_108 = tpu.memref_squeeze %dma_start3A_107 : memref<1x8192x1024xf32, #tpu.memory_space<hbm>> -> memref<8192x1024xf32, #tpu.memory_space<hbm>>
    %dma_start3A_109 = arith.constant 0 : i32
    %dma_start3A_110 = tpu.memref_slice %dma_start3A_108[%add3A_103, %dma_start3A_109] : memref<8192x1024xf32, #tpu.memory_space<hbm>> -> memref<32x1024xf32, #tpu.memory_space<hbm>>
    %dma_start3A_111 = arith.constant 0 : i32
    %dma_start3A_112 = arith.constant 0 : i32
    %dma_start3A_113 = tpu.memref_slice %arg3[%dma_start3A_104, %dma_start3A_111, %dma_start3A_112] : memref<4x8192x1024xf32, #tpu.memory_space<hbm>> -> memref<1x8192x1024xf32, #tpu.memory_space<hbm>>
    %dma_start3A_114 = tpu.memref_squeeze %dma_start3A_113 : memref<1x8192x1024xf32, #tpu.memory_space<hbm>> -> memref<8192x1024xf32, #tpu.memory_space<hbm>>
    %dma_start3A_115 = arith.constant 0 : i32
    %dma_start3A_116 = tpu.memref_slice %dma_start3A_114[%add3A_103, %dma_start3A_115] : memref<8192x1024xf32, #tpu.memory_space<hbm>> -> memref<32x1024xf32, #tpu.memory_space<hbm>>
    tpu.enqueue_dma source(%arg5 : memref<32x1024xf32, #tpu.memory_space<vmem>>) target(%dma_start3A_116 : memref<32x1024xf32, #tpu.memory_space<hbm>>) target_semaphore(%arg8 : memref<!tpu.dma_semaphore, #tpu.memory_space<semaphore_mem>>)
    %add3A_117 = arith.constant 32 : i32
    %add3A_118 = arith.addi %mul3A_2, %add3A_117 : i32
    %dma_start3A_119 = arith.constant 2 : i32
    %dma_start3A_120 = arith.constant 0 : i32
    %dma_start3A_121 = arith.constant 0 : i32
    %dma_start3A_122 = tpu.memref_slice %arg3[%dma_start3A_119, %dma_start3A_120, %dma_start3A_121] : memref<4x8192x1024xf32, #tpu.memory_space<hbm>> -> memref<1x8192x1024xf32, #tpu.memory_space<hbm>>
    %dma_start3A_123 = tpu.memref_squeeze %dma_start3A_122 : memref<1x8192x1024xf32, #tpu.memory_space<hbm>> -> memref<8192x1024xf32, #tpu.memory_space<hbm>>
    %dma_start3A_124 = arith.constant 0 : i32
    %dma_start3A_125 = tpu.memref_slice %dma_start3A_123[%add3A_118, %dma_start3A_124] : memref<8192x1024xf32, #tpu.memory_space<hbm>> -> memref<32x1024xf32, #tpu.memory_space<hbm>>
    %dma_start3A_126 = arith.constant 0 : i32
    %dma_start3A_127 = arith.constant 0 : i32
    %dma_start3A_128 = tpu.memref_slice %arg3[%dma_start3A_119, %dma_start3A_126, %dma_start3A_127] : memref<4x8192x1024xf32, #tpu.memory_space<hbm>> -> memref<1x8192x1024xf32, #tpu.memory_space<hbm>>
    %dma_start3A_129 = tpu.memref_squeeze %dma_start3A_128 : memref<1x8192x1024xf32, #tpu.memory_space<hbm>> -> memref<8192x1024xf32, #tpu.memory_space<hbm>>
    %dma_start3A_130 = arith.constant 0 : i32
    %dma_start3A_131 = tpu.memref_slice %dma_start3A_129[%add3A_118, %dma_start3A_130] : memref<8192x1024xf32, #tpu.memory_space<hbm>> -> memref<32x1024xf32, #tpu.memory_space<hbm>>
    tpu.enqueue_dma source(%arg5 : memref<32x1024xf32, #tpu.memory_space<vmem>>) target(%dma_start3A_131 : memref<32x1024xf32, #tpu.memory_space<hbm>>) target_semaphore(%arg8 : memref<!tpu.dma_semaphore, #tpu.memory_space<semaphore_mem>>)
    %add3A_132 = arith.constant 32 : i32
    %add3A_133 = arith.addi %mul3A_2, %add3A_132 : i32
    %dma_start3A_134 = arith.constant 3 : i32
    %dma_start3A_135 = arith.constant 0 : i32
    %dma_start3A_136 = arith.constant 0 : i32
    %dma_start3A_137 = tpu.memref_slice %arg3[%dma_start3A_134, %dma_start3A_135, %dma_start3A_136] : memref<4x8192x1024xf32, #tpu.memory_space<hbm>> -> memref<1x8192x1024xf32, #tpu.memory_space<hbm>>
    %dma_start3A_138 = tpu.memref_squeeze %dma_start3A_137 : memref<1x8192x1024xf32, #tpu.memory_space<hbm>> -> memref<8192x1024xf32, #tpu.memory_space<hbm>>
    %dma_start3A_139 = arith.constant 0 : i32
    %dma_start3A_140 = tpu.memref_slice %dma_start3A_138[%add3A_133, %dma_start3A_139] : memref<8192x1024xf32, #tpu.memory_space<hbm>> -> memref<32x1024xf32, #tpu.memory_space<hbm>>
    %dma_start3A_141 = arith.constant 0 : i32
    %dma_start3A_142 = arith.constant 0 : i32
    %dma_start3A_143 = tpu.memref_slice %arg3[%dma_start3A_134, %dma_start3A_141, %dma_start3A_142] : memref<4x8192x1024xf32, #tpu.memory_space<hbm>> -> memref<1x8192x1024xf32, #tpu.memory_space<hbm>>
    %dma_start3A_144 = tpu.memref_squeeze %dma_start3A_143 : memref<1x8192x1024xf32, #tpu.memory_space<hbm>> -> memref<8192x1024xf32, #tpu.memory_space<hbm>>
    %dma_start3A_145 = arith.constant 0 : i32
    %dma_start3A_146 = tpu.memref_slice %dma_start3A_144[%add3A_133, %dma_start3A_145] : memref<8192x1024xf32, #tpu.memory_space<hbm>> -> memref<32x1024xf32, #tpu.memory_space<hbm>>
    tpu.enqueue_dma source(%arg5 : memref<32x1024xf32, #tpu.memory_space<vmem>>) target(%dma_start3A_146 : memref<32x1024xf32, #tpu.memory_space<hbm>>) target_semaphore(%arg8 : memref<!tpu.dma_semaphore, #tpu.memory_space<semaphore_mem>>)
    %dma_wait3A_147 = arith.constant 0 : i32
    %dma_wait3A_148 = arith.constant 0 : i32
    %dma_wait3A_149 = arith.constant 0 : i32
    %dma_wait3A_150 = tpu.memref_slice %arg3[%dma_wait3A_147, %dma_wait3A_148, %dma_wait3A_149] : memref<4x8192x1024xf32, #tpu.memory_space<hbm>> -> memref<1x8192x1024xf32, #tpu.memory_space<hbm>>
    %dma_wait3A_151 = tpu.memref_squeeze %dma_wait3A_150 : memref<1x8192x1024xf32, #tpu.memory_space<hbm>> -> memref<8192x1024xf32, #tpu.memory_space<hbm>>
    %dma_wait3A_152 = arith.constant 0 : i32
    %dma_wait3A_153 = tpu.memref_slice %dma_wait3A_151[%add3A_18, %dma_wait3A_152] : memref<8192x1024xf32, #tpu.memory_space<hbm>> -> memref<32x1024xf32, #tpu.memory_space<hbm>>
    %dma_wait3A_154 = arith.constant 0 : i32
    %dma_wait3A_155 = arith.constant 0 : i32
    %dma_wait3A_156 = tpu.memref_slice %arg3[%dma_wait3A_147, %dma_wait3A_154, %dma_wait3A_155] : memref<4x8192x1024xf32, #tpu.memory_space<hbm>> -> memref<1x8192x1024xf32, #tpu.memory_space<hbm>>
    %dma_wait3A_157 = tpu.memref_squeeze %dma_wait3A_156 : memref<1x8192x1024xf32, #tpu.memory_space<hbm>> -> memref<8192x1024xf32, #tpu.memory_space<hbm>>
    %dma_wait3A_158 = arith.constant 0 : i32
    %dma_wait3A_159 = tpu.memref_slice %dma_wait3A_157[%add3A_18, %dma_wait3A_158] : memref<8192x1024xf32, #tpu.memory_space<hbm>> -> memref<32x1024xf32, #tpu.memory_space<hbm>>
    tpu.wait_dma2 semaphore(%arg8 : memref<!tpu.dma_semaphore, #tpu.memory_space<semaphore_mem>>) src(%arg4 : memref<32x1024xf32, #tpu.memory_space<vmem>>) dst(%dma_wait3A_159 : memref<32x1024xf32, #tpu.memory_space<hbm>>)
    %dma_wait3A_160 = arith.constant 1 : i32
    %dma_wait3A_161 = arith.constant 0 : i32
    %dma_wait3A_162 = arith.constant 0 : i32
    %dma_wait3A_163 = tpu.memref_slice %arg3[%dma_wait3A_160, %dma_wait3A_161, %dma_wait3A_162] : memref<4x8192x1024xf32, #tpu.memory_space<hbm>> -> memref<1x8192x1024xf32, #tpu.memory_space<hbm>>
    %dma_wait3A_164 = tpu.memref_squeeze %dma_wait3A_163 : memref<1x8192x1024xf32, #tpu.memory_space<hbm>> -> memref<8192x1024xf32, #tpu.memory_space<hbm>>
    %dma_wait3A_165 = arith.constant 0 : i32
    %dma_wait3A_166 = tpu.memref_slice %dma_wait3A_164[%add3A_33, %dma_wait3A_165] : memref<8192x1024xf32, #tpu.memory_space<hbm>> -> memref<32x1024xf32, #tpu.memory_space<hbm>>
    %dma_wait3A_167 = arith.constant 0 : i32
    %dma_wait3A_168 = arith.constant 0 : i32
    %dma_wait3A_169 = tpu.memref_slice %arg3[%dma_wait3A_160, %dma_wait3A_167, %dma_wait3A_168] : memref<4x8192x1024xf32, #tpu.memory_space<hbm>> -> memref<1x8192x1024xf32, #tpu.memory_space<hbm>>
    %dma_wait3A_170 = tpu.memref_squeeze %dma_wait3A_169 : memref<1x8192x1024xf32, #tpu.memory_space<hbm>> -> memref<8192x1024xf32, #tpu.memory_space<hbm>>
    %dma_wait3A_171 = arith.constant 0 : i32
    %dma_wait3A_172 = tpu.memref_slice %dma_wait3A_170[%add3A_33, %dma_wait3A_171] : memref<8192x1024xf32, #tpu.memory_space<hbm>> -> memref<32x1024xf32, #tpu.memory_space<hbm>>
    tpu.wait_dma2 semaphore(%arg8 : memref<!tpu.dma_semaphore, #tpu.memory_space<semaphore_mem>>) src(%arg4 : memref<32x1024xf32, #tpu.memory_space<vmem>>) dst(%dma_wait3A_172 : memref<32x1024xf32, #tpu.memory_space<hbm>>)
    %dma_wait3A_173 = arith.constant 2 : i32
    %dma_wait3A_174 = arith.constant 0 : i32
    %dma_wait3A_175 = arith.constant 0 : i32
    %dma_wait3A_176 = tpu.memref_slice %arg3[%dma_wait3A_173, %dma_wait3A_174, %dma_wait3A_175] : memref<4x8192x1024xf32, #tpu.memory_space<hbm>> -> memref<1x8192x1024xf32, #tpu.memory_space<hbm>>
    %dma_wait3A_177 = tpu.memref_squeeze %dma_wait3A_176 : memref<1x8192x1024xf32, #tpu.memory_space<hbm>> -> memref<8192x1024xf32, #tpu.memory_space<hbm>>
    %dma_wait3A_178 = arith.constant 0 : i32
    %dma_wait3A_179 = tpu.memref_slice %dma_wait3A_177[%add3A_48, %dma_wait3A_178] : memref<8192x1024xf32, #tpu.memory_space<hbm>> -> memref<32x1024xf32, #tpu.memory_space<hbm>>
    %dma_wait3A_180 = arith.constant 0 : i32
    %dma_wait3A_181 = arith.constant 0 : i32
    %dma_wait3A_182 = tpu.memref_slice %arg3[%dma_wait3A_173, %dma_wait3A_180, %dma_wait3A_181] : memref<4x8192x1024xf32, #tpu.memory_space<hbm>> -> memref<1x8192x1024xf32, #tpu.memory_space<hbm>>
    %dma_wait3A_183 = tpu.memref_squeeze %dma_wait3A_182 : memref<1x8192x1024xf32, #tpu.memory_space<hbm>> -> memref<8192x1024xf32, #tpu.memory_space<hbm>>
    %dma_wait3A_184 = arith.constant 0 : i32
    %dma_wait3A_185 = tpu.memref_slice %dma_wait3A_183[%add3A_48, %dma_wait3A_184] : memref<8192x1024xf32, #tpu.memory_space<hbm>> -> memref<32x1024xf32, #tpu.memory_space<hbm>>
    tpu.wait_dma2 semaphore(%arg8 : memref<!tpu.dma_semaphore, #tpu.memory_space<semaphore_mem>>) src(%arg4 : memref<32x1024xf32, #tpu.memory_space<vmem>>) dst(%dma_wait3A_185 : memref<32x1024xf32, #tpu.memory_space<hbm>>)
    %dma_wait3A_186 = arith.constant 3 : i32
    %dma_wait3A_187 = arith.constant 0 : i32
    %dma_wait3A_188 = arith.constant 0 : i32
    %dma_wait3A_189 = tpu.memref_slice %arg3[%dma_wait3A_186, %dma_wait3A_187, %dma_wait3A_188] : memref<4x8192x1024xf32, #tpu.memory_space<hbm>> -> memref<1x8192x1024xf32, #tpu.memory_space<hbm>>
    %dma_wait3A_190 = tpu.memref_squeeze %dma_wait3A_189 : memref<1x8192x1024xf32, #tpu.memory_space<hbm>> -> memref<8192x1024xf32, #tpu.memory_space<hbm>>
    %dma_wait3A_191 = arith.constant 0 : i32
    %dma_wait3A_192 = tpu.memref_slice %dma_wait3A_190[%add3A_63, %dma_wait3A_191] : memref<8192x1024xf32, #tpu.memory_space<hbm>> -> memref<32x1024xf32, #tpu.memory_space<hbm>>
    %dma_wait3A_193 = arith.constant 0 : i32
    %dma_wait3A_194 = arith.constant 0 : i32
    %dma_wait3A_195 = tpu.memref_slice %arg3[%dma_wait3A_186, %dma_wait3A_193, %dma_wait3A_194] : memref<4x8192x1024xf32, #tpu.memory_space<hbm>> -> memref<1x8192x1024xf32, #tpu.memory_space<hbm>>
    %dma_wait3A_196 = tpu.memref_squeeze %dma_wait3A_195 : memref<1x8192x1024xf32, #tpu.memory_space<hbm>> -> memref<8192x1024xf32, #tpu.memory_space<hbm>>
    %dma_wait3A_197 = arith.constant 0 : i32
    %dma_wait3A_198 = tpu.memref_slice %dma_wait3A_196[%add3A_63, %dma_wait3A_197] : memref<8192x1024xf32, #tpu.memory_space<hbm>> -> memref<32x1024xf32, #tpu.memory_space<hbm>>
    tpu.wait_dma2 semaphore(%arg8 : memref<!tpu.dma_semaphore, #tpu.memory_space<semaphore_mem>>) src(%arg4 : memref<32x1024xf32, #tpu.memory_space<vmem>>) dst(%dma_wait3A_198 : memref<32x1024xf32, #tpu.memory_space<hbm>>)
    %add3A_199 = arith.constant 96 : i32
    %add3A_200 = arith.addi %mul3A_2, %add3A_199 : i32
    %dma_start3A_201 = arith.constant 0 : i32
    %dma_start3A_202 = tpu.memref_slice %arg2[%add3A_200, %dma_start3A_201] : memref<8193x1024xf32, #tpu.memory_space<hbm>> -> memref<32x1024xf32, #tpu.memory_space<hbm>>
    %dma_start3A_203 = arith.constant 0 : i32
    %dma_start3A_204 = tpu.memref_slice %arg2[%add3A_200, %dma_start3A_203] : memref<8193x1024xf32, #tpu.memory_space<hbm>> -> memref<32x1024xf32, #tpu.memory_space<hbm>>
    tpu.enqueue_dma source(%dma_start3A_204 : memref<32x1024xf32, #tpu.memory_space<hbm>>) target(%arg4 : memref<32x1024xf32, #tpu.memory_space<vmem>>) target_semaphore(%arg7 : memref<!tpu.dma_semaphore, #tpu.memory_space<semaphore_mem>>)
    %dma_wait3A_205 = arith.constant 0 : i32
    %dma_wait3A_206 = tpu.memref_slice %arg2[%add3A_78, %dma_wait3A_205] : memref<8193x1024xf32, #tpu.memory_space<hbm>> -> memref<32x1024xf32, #tpu.memory_space<hbm>>
    %dma_wait3A_207 = arith.constant 0 : i32
    %dma_wait3A_208 = tpu.memref_slice %arg2[%add3A_78, %dma_wait3A_207] : memref<8193x1024xf32, #tpu.memory_space<hbm>> -> memref<32x1024xf32, #tpu.memory_space<hbm>>
    tpu.wait_dma2 semaphore(%arg7 : memref<!tpu.dma_semaphore, #tpu.memory_space<semaphore_mem>>) src(%dma_wait3A_208 : memref<32x1024xf32, #tpu.memory_space<hbm>>) dst(%arg6 : memref<32x1024xf32, #tpu.memory_space<vmem>>)
    %add3A_209 = arith.constant 64 : i32
    %add3A_210 = arith.addi %mul3A_2, %add3A_209 : i32
    %dma_start3A_211 = arith.constant 0 : i32
    %dma_start3A_212 = arith.constant 0 : i32
    %dma_start3A_213 = arith.constant 0 : i32
    %dma_start3A_214 = tpu.memref_slice %arg3[%dma_start3A_211, %dma_start3A_212, %dma_start3A_213] : memref<4x8192x1024xf32, #tpu.memory_space<hbm>> -> memref<1x8192x1024xf32, #tpu.memory_space<hbm>>
    %dma_start3A_215 = tpu.memref_squeeze %dma_start3A_214 : memref<1x8192x1024xf32, #tpu.memory_space<hbm>> -> memref<8192x1024xf32, #tpu.memory_space<hbm>>
    %dma_start3A_216 = arith.constant 0 : i32
    %dma_start3A_217 = tpu.memref_slice %dma_start3A_215[%add3A_210, %dma_start3A_216] : memref<8192x1024xf32, #tpu.memory_space<hbm>> -> memref<32x1024xf32, #tpu.memory_space<hbm>>
    %dma_start3A_218 = arith.constant 0 : i32
    %dma_start3A_219 = arith.constant 0 : i32
    %dma_start3A_220 = tpu.memref_slice %arg3[%dma_start3A_211, %dma_start3A_218, %dma_start3A_219] : memref<4x8192x1024xf32, #tpu.memory_space<hbm>> -> memref<1x8192x1024xf32, #tpu.memory_space<hbm>>
    %dma_start3A_221 = tpu.memref_squeeze %dma_start3A_220 : memref<1x8192x1024xf32, #tpu.memory_space<hbm>> -> memref<8192x1024xf32, #tpu.memory_space<hbm>>
    %dma_start3A_222 = arith.constant 0 : i32
    %dma_start3A_223 = tpu.memref_slice %dma_start3A_221[%add3A_210, %dma_start3A_222] : memref<8192x1024xf32, #tpu.memory_space<hbm>> -> memref<32x1024xf32, #tpu.memory_space<hbm>>
    tpu.enqueue_dma source(%arg6 : memref<32x1024xf32, #tpu.memory_space<vmem>>) target(%dma_start3A_223 : memref<32x1024xf32, #tpu.memory_space<hbm>>) target_semaphore(%arg8 : memref<!tpu.dma_semaphore, #tpu.memory_space<semaphore_mem>>)
    %add3A_224 = arith.constant 64 : i32
    %add3A_225 = arith.addi %mul3A_2, %add3A_224 : i32
    %dma_start3A_226 = arith.constant 1 : i32
    %dma_start3A_227 = arith.constant 0 : i32
    %dma_start3A_228 = arith.constant 0 : i32
    %dma_start3A_229 = tpu.memref_slice %arg3[%dma_start3A_226, %dma_start3A_227, %dma_start3A_228] : memref<4x8192x1024xf32, #tpu.memory_space<hbm>> -> memref<1x8192x1024xf32, #tpu.memory_space<hbm>>
    %dma_start3A_230 = tpu.memref_squeeze %dma_start3A_229 : memref<1x8192x1024xf32, #tpu.memory_space<hbm>> -> memref<8192x1024xf32, #tpu.memory_space<hbm>>
    %dma_start3A_231 = arith.constant 0 : i32
    %dma_start3A_232 = tpu.memref_slice %dma_start3A_230[%add3A_225, %dma_start3A_231] : memref<8192x1024xf32, #tpu.memory_space<hbm>> -> memref<32x1024xf32, #tpu.memory_space<hbm>>
    %dma_start3A_233 = arith.constant 0 : i32
    %dma_start3A_234 = arith.constant 0 : i32
    %dma_start3A_235 = tpu.memref_slice %arg3[%dma_start3A_226, %dma_start3A_233, %dma_start3A_234] : memref<4x8192x1024xf32, #tpu.memory_space<hbm>> -> memref<1x8192x1024xf32, #tpu.memory_space<hbm>>
    %dma_start3A_236 = tpu.memref_squeeze %dma_start3A_235 : memref<1x8192x1024xf32, #tpu.memory_space<hbm>> -> memref<8192x1024xf32, #tpu.memory_space<hbm>>
    %dma_start3A_237 = arith.constant 0 : i32
    %dma_start3A_238 = tpu.memref_slice %dma_start3A_236[%add3A_225, %dma_start3A_237] : memref<8192x1024xf32, #tpu.memory_space<hbm>> -> memref<32x1024xf32, #tpu.memory_space<hbm>>
    tpu.enqueue_dma source(%arg6 : memref<32x1024xf32, #tpu.memory_space<vmem>>) target(%dma_start3A_238 : memref<32x1024xf32, #tpu.memory_space<hbm>>) target_semaphore(%arg8 : memref<!tpu.dma_semaphore, #tpu.memory_space<semaphore_mem>>)
    %add3A_239 = arith.constant 64 : i32
    %add3A_240 = arith.addi %mul3A_2, %add3A_239 : i32
    %dma_start3A_241 = arith.constant 2 : i32
    %dma_start3A_242 = arith.constant 0 : i32
    %dma_start3A_243 = arith.constant 0 : i32
    %dma_start3A_244 = tpu.memref_slice %arg3[%dma_start3A_241, %dma_start3A_242, %dma_start3A_243] : memref<4x8192x1024xf32, #tpu.memory_space<hbm>> -> memref<1x8192x1024xf32, #tpu.memory_space<hbm>>
    %dma_start3A_245 = tpu.memref_squeeze %dma_start3A_244 : memref<1x8192x1024xf32, #tpu.memory_space<hbm>> -> memref<8192x1024xf32, #tpu.memory_space<hbm>>
    %dma_start3A_246 = arith.constant 0 : i32
    %dma_start3A_247 = tpu.memref_slice %dma_start3A_245[%add3A_240, %dma_start3A_246] : memref<8192x1024xf32, #tpu.memory_space<hbm>> -> memref<32x1024xf32, #tpu.memory_space<hbm>>
    %dma_start3A_248 = arith.constant 0 : i32
    %dma_start3A_249 = arith.constant 0 : i32
    %dma_start3A_250 = tpu.memref_slice %arg3[%dma_start3A_241, %dma_start3A_248, %dma_start3A_249] : memref<4x8192x1024xf32, #tpu.memory_space<hbm>> -> memref<1x8192x1024xf32, #tpu.memory_space<hbm>>
    %dma_start3A_251 = tpu.memref_squeeze %dma_start3A_250 : memref<1x8192x1024xf32, #tpu.memory_space<hbm>> -> memref<8192x1024xf32, #tpu.memory_space<hbm>>
    %dma_start3A_252 = arith.constant 0 : i32
    %dma_start3A_253 = tpu.memref_slice %dma_start3A_251[%add3A_240, %dma_start3A_252] : memref<8192x1024xf32, #tpu.memory_space<hbm>> -> memref<32x1024xf32, #tpu.memory_space<hbm>>
    tpu.enqueue_dma source(%arg6 : memref<32x1024xf32, #tpu.memory_space<vmem>>) target(%dma_start3A_253 : memref<32x1024xf32, #tpu.memory_space<hbm>>) target_semaphore(%arg8 : memref<!tpu.dma_semaphore, #tpu.memory_space<semaphore_mem>>)
    %add3A_254 = arith.constant 64 : i32
    %add3A_255 = arith.addi %mul3A_2, %add3A_254 : i32
    %dma_start3A_256 = arith.constant 3 : i32
    %dma_start3A_257 = arith.constant 0 : i32
    %dma_start3A_258 = arith.constant 0 : i32
    %dma_start3A_259 = tpu.memref_slice %arg3[%dma_start3A_256, %dma_start3A_257, %dma_start3A_258] : memref<4x8192x1024xf32, #tpu.memory_space<hbm>> -> memref<1x8192x1024xf32, #tpu.memory_space<hbm>>
    %dma_start3A_260 = tpu.memref_squeeze %dma_start3A_259 : memref<1x8192x1024xf32, #tpu.memory_space<hbm>> -> memref<8192x1024xf32, #tpu.memory_space<hbm>>
    %dma_start3A_261 = arith.constant 0 : i32
    %dma_start3A_262 = tpu.memref_slice %dma_start3A_260[%add3A_255, %dma_start3A_261] : memref<8192x1024xf32, #tpu.memory_space<hbm>> -> memref<32x1024xf32, #tpu.memory_space<hbm>>
    %dma_start3A_263 = arith.constant 0 : i32
    %dma_start3A_264 = arith.constant 0 : i32
    %dma_start3A_265 = tpu.memref_slice %arg3[%dma_start3A_256, %dma_start3A_263, %dma_start3A_264] : memref<4x8192x1024xf32, #tpu.memory_space<hbm>> -> memref<1x8192x1024xf32, #tpu.memory_space<hbm>>
    %dma_start3A_266 = tpu.memref_squeeze %dma_start3A_265 : memref<1x8192x1024xf32, #tpu.memory_space<hbm>> -> memref<8192x1024xf32, #tpu.memory_space<hbm>>
    %dma_start3A_267 = arith.constant 0 : i32
    %dma_start3A_268 = tpu.memref_slice %dma_start3A_266[%add3A_255, %dma_start3A_267] : memref<8192x1024xf32, #tpu.memory_space<hbm>> -> memref<32x1024xf32, #tpu.memory_space<hbm>>
    tpu.enqueue_dma source(%arg6 : memref<32x1024xf32, #tpu.memory_space<vmem>>) target(%dma_start3A_268 : memref<32x1024xf32, #tpu.memory_space<hbm>>) target_semaphore(%arg8 : memref<!tpu.dma_semaphore, #tpu.memory_space<semaphore_mem>>)
    %dma_wait3A_269 = arith.constant 0 : i32
    %dma_wait3A_270 = arith.constant 0 : i32
    %dma_wait3A_271 = arith.constant 0 : i32
    %dma_wait3A_272 = tpu.memref_slice %arg3[%dma_wait3A_269, %dma_wait3A_270, %dma_wait3A_271] : memref<4x8192x1024xf32, #tpu.memory_space<hbm>> -> memref<1x8192x1024xf32, #tpu.memory_space<hbm>>
    %dma_wait3A_273 = tpu.memref_squeeze %dma_wait3A_272 : memref<1x8192x1024xf32, #tpu.memory_space<hbm>> -> memref<8192x1024xf32, #tpu.memory_space<hbm>>
    %dma_wait3A_274 = arith.constant 0 : i32
    %dma_wait3A_275 = tpu.memref_slice %dma_wait3A_273[%add3A_88, %dma_wait3A_274] : memref<8192x1024xf32, #tpu.memory_space<hbm>> -> memref<32x1024xf32, #tpu.memory_space<hbm>>
    %dma_wait3A_276 = arith.constant 0 : i32
    %dma_wait3A_277 = arith.constant 0 : i32
    %dma_wait3A_278 = tpu.memref_slice %arg3[%dma_wait3A_269, %dma_wait3A_276, %dma_wait3A_277] : memref<4x8192x1024xf32, #tpu.memory_space<hbm>> -> memref<1x8192x1024xf32, #tpu.memory_space<hbm>>
    %dma_wait3A_279 = tpu.memref_squeeze %dma_wait3A_278 : memref<1x8192x1024xf32, #tpu.memory_space<hbm>> -> memref<8192x1024xf32, #tpu.memory_space<hbm>>
    %dma_wait3A_280 = arith.constant 0 : i32
    %dma_wait3A_281 = tpu.memref_slice %dma_wait3A_279[%add3A_88, %dma_wait3A_280] : memref<8192x1024xf32, #tpu.memory_space<hbm>> -> memref<32x1024xf32, #tpu.memory_space<hbm>>
    tpu.wait_dma2 semaphore(%arg8 : memref<!tpu.dma_semaphore, #tpu.memory_space<semaphore_mem>>) src(%arg5 : memref<32x1024xf32, #tpu.memory_space<vmem>>) dst(%dma_wait3A_281 : memref<32x1024xf32, #tpu.memory_space<hbm>>)
    %dma_wait3A_282 = arith.constant 1 : i32
    %dma_wait3A_283 = arith.constant 0 : i32
    %dma_wait3A_284 = arith.constant 0 : i32
    %dma_wait3A_285 = tpu.memref_slice %arg3[%dma_wait3A_282, %dma_wait3A_283, %dma_wait3A_284] : memref<4x8192x1024xf32, #tpu.memory_space<hbm>> -> memref<1x8192x1024xf32, #tpu.memory_space<hbm>>
    %dma_wait3A_286 = tpu.memref_squeeze %dma_wait3A_285 : memref<1x8192x1024xf32, #tpu.memory_space<hbm>> -> memref<8192x1024xf32, #tpu.memory_space<hbm>>
    %dma_wait3A_287 = arith.constant 0 : i32
    %dma_wait3A_288 = tpu.memref_slice %dma_wait3A_286[%add3A_103, %dma_wait3A_287] : memref<8192x1024xf32, #tpu.memory_space<hbm>> -> memref<32x1024xf32, #tpu.memory_space<hbm>>
    %dma_wait3A_289 = arith.constant 0 : i32
    %dma_wait3A_290 = arith.constant 0 : i32
    %dma_wait3A_291 = tpu.memref_slice %arg3[%dma_wait3A_282, %dma_wait3A_289, %dma_wait3A_290] : memref<4x8192x1024xf32, #tpu.memory_space<hbm>> -> memref<1x8192x1024xf32, #tpu.memory_space<hbm>>
    %dma_wait3A_292 = tpu.memref_squeeze %dma_wait3A_291 : memref<1x8192x1024xf32, #tpu.memory_space<hbm>> -> memref<8192x1024xf32, #tpu.memory_space<hbm>>
    %dma_wait3A_293 = arith.constant 0 : i32
    %dma_wait3A_294 = tpu.memref_slice %dma_wait3A_292[%add3A_103, %dma_wait3A_293] : memref<8192x1024xf32, #tpu.memory_space<hbm>> -> memref<32x1024xf32, #tpu.memory_space<hbm>>
    tpu.wait_dma2 semaphore(%arg8 : memref<!tpu.dma_semaphore, #tpu.memory_space<semaphore_mem>>) src(%arg5 : memref<32x1024xf32, #tpu.memory_space<vmem>>) dst(%dma_wait3A_294 : memref<32x1024xf32, #tpu.memory_space<hbm>>)
    %dma_wait3A_295 = arith.constant 2 : i32
    %dma_wait3A_296 = arith.constant 0 : i32
    %dma_wait3A_297 = arith.constant 0 : i32
    %dma_wait3A_298 = tpu.memref_slice %arg3[%dma_wait3A_295, %dma_wait3A_296, %dma_wait3A_297] : memref<4x8192x1024xf32, #tpu.memory_space<hbm>> -> memref<1x8192x1024xf32, #tpu.memory_space<hbm>>
    %dma_wait3A_299 = tpu.memref_squeeze %dma_wait3A_298 : memref<1x8192x1024xf32, #tpu.memory_space<hbm>> -> memref<8192x1024xf32, #tpu.memory_space<hbm>>
    %dma_wait3A_300 = arith.constant 0 : i32
    %dma_wait3A_301 = tpu.memref_slice %dma_wait3A_299[%add3A_118, %dma_wait3A_300] : memref<8192x1024xf32, #tpu.memory_space<hbm>> -> memref<32x1024xf32, #tpu.memory_space<hbm>>
    %dma_wait3A_302 = arith.constant 0 : i32
    %dma_wait3A_303 = arith.constant 0 : i32
    %dma_wait3A_304 = tpu.memref_slice %arg3[%dma_wait3A_295, %dma_wait3A_302, %dma_wait3A_303] : memref<4x8192x1024xf32, #tpu.memory_space<hbm>> -> memref<1x8192x1024xf32, #tpu.memory_space<hbm>>
    %dma_wait3A_305 = tpu.memref_squeeze %dma_wait3A_304 : memref<1x8192x1024xf32, #tpu.memory_space<hbm>> -> memref<8192x1024xf32, #tpu.memory_space<hbm>>
    %dma_wait3A_306 = arith.constant 0 : i32
    %dma_wait3A_307 = tpu.memref_slice %dma_wait3A_305[%add3A_118, %dma_wait3A_306] : memref<8192x1024xf32, #tpu.memory_space<hbm>> -> memref<32x1024xf32, #tpu.memory_space<hbm>>
    tpu.wait_dma2 semaphore(%arg8 : memref<!tpu.dma_semaphore, #tpu.memory_space<semaphore_mem>>) src(%arg5 : memref<32x1024xf32, #tpu.memory_space<vmem>>) dst(%dma_wait3A_307 : memref<32x1024xf32, #tpu.memory_space<hbm>>)
    %dma_wait3A_308 = arith.constant 3 : i32
    %dma_wait3A_309 = arith.constant 0 : i32
    %dma_wait3A_310 = arith.constant 0 : i32
    %dma_wait3A_311 = tpu.memref_slice %arg3[%dma_wait3A_308, %dma_wait3A_309, %dma_wait3A_310] : memref<4x8192x1024xf32, #tpu.memory_space<hbm>> -> memref<1x8192x1024xf32, #tpu.memory_space<hbm>>
    %dma_wait3A_312 = tpu.memref_squeeze %dma_wait3A_311 : memref<1x8192x1024xf32, #tpu.memory_space<hbm>> -> memref<8192x1024xf32, #tpu.memory_space<hbm>>
    %dma_wait3A_313 = arith.constant 0 : i32
    %dma_wait3A_314 = tpu.memref_slice %dma_wait3A_312[%add3A_133, %dma_wait3A_313] : memref<8192x1024xf32, #tpu.memory_space<hbm>> -> memref<32x1024xf32, #tpu.memory_space<hbm>>
    %dma_wait3A_315 = arith.constant 0 : i32
    %dma_wait3A_316 = arith.constant 0 : i32
    %dma_wait3A_317 = tpu.memref_slice %arg3[%dma_wait3A_308, %dma_wait3A_315, %dma_wait3A_316] : memref<4x8192x1024xf32, #tpu.memory_space<hbm>> -> memref<1x8192x1024xf32, #tpu.memory_space<hbm>>
    %dma_wait3A_318 = tpu.memref_squeeze %dma_wait3A_317 : memref<1x8192x1024xf32, #tpu.memory_space<hbm>> -> memref<8192x1024xf32, #tpu.memory_space<hbm>>
    %dma_wait3A_319 = arith.constant 0 : i32
    %dma_wait3A_320 = tpu.memref_slice %dma_wait3A_318[%add3A_133, %dma_wait3A_319] : memref<8192x1024xf32, #tpu.memory_space<hbm>> -> memref<32x1024xf32, #tpu.memory_space<hbm>>
    tpu.wait_dma2 semaphore(%arg8 : memref<!tpu.dma_semaphore, #tpu.memory_space<semaphore_mem>>) src(%arg5 : memref<32x1024xf32, #tpu.memory_space<vmem>>) dst(%dma_wait3A_320 : memref<32x1024xf32, #tpu.memory_space<hbm>>)
    %add3A_321 = arith.constant 128 : i32
    %add3A_322 = arith.addi %mul3A_2, %add3A_321 : i32
    %dma_start3A_323 = arith.constant 0 : i32
    %dma_start3A_324 = tpu.memref_slice %arg2[%add3A_322, %dma_start3A_323] : memref<8193x1024xf32, #tpu.memory_space<hbm>> -> memref<32x1024xf32, #tpu.memory_space<hbm>>
    %dma_start3A_325 = arith.constant 0 : i32
    %dma_start3A_326 = tpu.memref_slice %arg2[%add3A_322, %dma_start3A_325] : memref<8193x1024xf32, #tpu.memory_space<hbm>> -> memref<32x1024xf32, #tpu.memory_space<hbm>>
    tpu.enqueue_dma source(%dma_start3A_326 : memref<32x1024xf32, #tpu.memory_space<hbm>>) target(%arg5 : memref<32x1024xf32, #tpu.memory_space<vmem>>) target_semaphore(%arg7 : memref<!tpu.dma_semaphore, #tpu.memory_space<semaphore_mem>>)
    %dma_wait3A_327 = arith.constant 0 : i32
    %dma_wait3A_328 = tpu.memref_slice %arg2[%add3A_200, %dma_wait3A_327] : memref<8193x1024xf32, #tpu.memory_space<hbm>> -> memref<32x1024xf32, #tpu.memory_space<hbm>>
    %dma_wait3A_329 = arith.constant 0 : i32
    %dma_wait3A_330 = tpu.memref_slice %arg2[%add3A_200, %dma_wait3A_329] : memref<8193x1024xf32, #tpu.memory_space<hbm>> -> memref<32x1024xf32, #tpu.memory_space<hbm>>
    tpu.wait_dma2 semaphore(%arg7 : memref<!tpu.dma_semaphore, #tpu.memory_space<semaphore_mem>>) src(%dma_wait3A_330 : memref<32x1024xf32, #tpu.memory_space<hbm>>) dst(%arg4 : memref<32x1024xf32, #tpu.memory_space<vmem>>)
    %add3A_331 = arith.constant 96 : i32
    %add3A_332 = arith.addi %mul3A_2, %add3A_331 : i32
    %dma_start3A_333 = arith.constant 0 : i32
    %dma_start3A_334 = arith.constant 0 : i32
    %dma_start3A_335 = arith.constant 0 : i32
    %dma_start3A_336 = tpu.memref_slice %arg3[%dma_start3A_333, %dma_start3A_334, %dma_start3A_335] : memref<4x8192x1024xf32, #tpu.memory_space<hbm>> -> memref<1x8192x1024xf32, #tpu.memory_space<hbm>>
    %dma_start3A_337 = tpu.memref_squeeze %dma_start3A_336 : memref<1x8192x1024xf32, #tpu.memory_space<hbm>> -> memref<8192x1024xf32, #tpu.memory_space<hbm>>
    %dma_start3A_338 = arith.constant 0 : i32
    %dma_start3A_339 = tpu.memref_slice %dma_start3A_337[%add3A_332, %dma_start3A_338] : memref<8192x1024xf32, #tpu.memory_space<hbm>> -> memref<32x1024xf32, #tpu.memory_space<hbm>>
    %dma_start3A_340 = arith.constant 0 : i32
    %dma_start3A_341 = arith.constant 0 : i32
    %dma_start3A_342 = tpu.memref_slice %arg3[%dma_start3A_333, %dma_start3A_340, %dma_start3A_341] : memref<4x8192x1024xf32, #tpu.memory_space<hbm>> -> memref<1x8192x1024xf32, #tpu.memory_space<hbm>>
    %dma_start3A_343 = tpu.memref_squeeze %dma_start3A_342 : memref<1x8192x1024xf32, #tpu.memory_space<hbm>> -> memref<8192x1024xf32, #tpu.memory_space<hbm>>
    %dma_start3A_344 = arith.constant 0 : i32
    %dma_start3A_345 = tpu.memref_slice %dma_start3A_343[%add3A_332, %dma_start3A_344] : memref<8192x1024xf32, #tpu.memory_space<hbm>> -> memref<32x1024xf32, #tpu.memory_space<hbm>>
    tpu.enqueue_dma source(%arg4 : memref<32x1024xf32, #tpu.memory_space<vmem>>) target(%dma_start3A_345 : memref<32x1024xf32, #tpu.memory_space<hbm>>) target_semaphore(%arg8 : memref<!tpu.dma_semaphore, #tpu.memory_space<semaphore_mem>>)
    %add3A_346 = arith.constant 96 : i32
    %add3A_347 = arith.addi %mul3A_2, %add3A_346 : i32
    %dma_start3A_348 = arith.constant 1 : i32
    %dma_start3A_349 = arith.constant 0 : i32
    %dma_start3A_350 = arith.constant 0 : i32
    %dma_start3A_351 = tpu.memref_slice %arg3[%dma_start3A_348, %dma_start3A_349, %dma_start3A_350] : memref<4x8192x1024xf32, #tpu.memory_space<hbm>> -> memref<1x8192x1024xf32, #tpu.memory_space<hbm>>
    %dma_start3A_352 = tpu.memref_squeeze %dma_start3A_351 : memref<1x8192x1024xf32, #tpu.memory_space<hbm>> -> memref<8192x1024xf32, #tpu.memory_space<hbm>>
    %dma_start3A_353 = arith.constant 0 : i32
    %dma_start3A_354 = tpu.memref_slice %dma_start3A_352[%add3A_347, %dma_start3A_353] : memref<8192x1024xf32, #tpu.memory_space<hbm>> -> memref<32x1024xf32, #tpu.memory_space<hbm>>
    %dma_start3A_355 = arith.constant 0 : i32
    %dma_start3A_356 = arith.constant 0 : i32
    %dma_start3A_357 = tpu.memref_slice %arg3[%dma_start3A_348, %dma_start3A_355, %dma_start3A_356] : memref<4x8192x1024xf32, #tpu.memory_space<hbm>> -> memref<1x8192x1024xf32, #tpu.memory_space<hbm>>
    %dma_start3A_358 = tpu.memref_squeeze %dma_start3A_357 : memref<1x8192x1024xf32, #tpu.memory_space<hbm>> -> memref<8192x1024xf32, #tpu.memory_space<hbm>>
    %dma_start3A_359 = arith.constant 0 : i32
    %dma_start3A_360 = tpu.memref_slice %dma_start3A_358[%add3A_347, %dma_start3A_359] : memref<8192x1024xf32, #tpu.memory_space<hbm>> -> memref<32x1024xf32, #tpu.memory_space<hbm>>
    tpu.enqueue_dma source(%arg4 : memref<32x1024xf32, #tpu.memory_space<vmem>>) target(%dma_start3A_360 : memref<32x1024xf32, #tpu.memory_space<hbm>>) target_semaphore(%arg8 : memref<!tpu.dma_semaphore, #tpu.memory_space<semaphore_mem>>)
    %add3A_361 = arith.constant 96 : i32
    %add3A_362 = arith.addi %mul3A_2, %add3A_361 : i32
    %dma_start3A_363 = arith.constant 2 : i32
    %dma_start3A_364 = arith.constant 0 : i32
    %dma_start3A_365 = arith.constant 0 : i32
    %dma_start3A_366 = tpu.memref_slice %arg3[%dma_start3A_363, %dma_start3A_364, %dma_start3A_365] : memref<4x8192x1024xf32, #tpu.memory_space<hbm>> -> memref<1x8192x1024xf32, #tpu.memory_space<hbm>>
    %dma_start3A_367 = tpu.memref_squeeze %dma_start3A_366 : memref<1x8192x1024xf32, #tpu.memory_space<hbm>> -> memref<8192x1024xf32, #tpu.memory_space<hbm>>
    %dma_start3A_368 = arith.constant 0 : i32
    %dma_start3A_369 = tpu.memref_slice %dma_start3A_367[%add3A_362, %dma_start3A_368] : memref<8192x1024xf32, #tpu.memory_space<hbm>> -> memref<32x1024xf32, #tpu.memory_space<hbm>>
    %dma_start3A_370 = arith.constant 0 : i32
    %dma_start3A_371 = arith.constant 0 : i32
    %dma_start3A_372 = tpu.memref_slice %arg3[%dma_start3A_363, %dma_start3A_370, %dma_start3A_371] : memref<4x8192x1024xf32, #tpu.memory_space<hbm>> -> memref<1x8192x1024xf32, #tpu.memory_space<hbm>>
    %dma_start3A_373 = tpu.memref_squeeze %dma_start3A_372 : memref<1x8192x1024xf32, #tpu.memory_space<hbm>> -> memref<8192x1024xf32, #tpu.memory_space<hbm>>
    %dma_start3A_374 = arith.constant 0 : i32
    %dma_start3A_375 = tpu.memref_slice %dma_start3A_373[%add3A_362, %dma_start3A_374] : memref<8192x1024xf32, #tpu.memory_space<hbm>> -> memref<32x1024xf32, #tpu.memory_space<hbm>>
    tpu.enqueue_dma source(%arg4 : memref<32x1024xf32, #tpu.memory_space<vmem>>) target(%dma_start3A_375 : memref<32x1024xf32, #tpu.memory_space<hbm>>) target_semaphore(%arg8 : memref<!tpu.dma_semaphore, #tpu.memory_space<semaphore_mem>>)
    %add3A_376 = arith.constant 96 : i32
    %add3A_377 = arith.addi %mul3A_2, %add3A_376 : i32
    %dma_start3A_378 = arith.constant 3 : i32
    %dma_start3A_379 = arith.constant 0 : i32
    %dma_start3A_380 = arith.constant 0 : i32
    %dma_start3A_381 = tpu.memref_slice %arg3[%dma_start3A_378, %dma_start3A_379, %dma_start3A_380] : memref<4x8192x1024xf32, #tpu.memory_space<hbm>> -> memref<1x8192x1024xf32, #tpu.memory_space<hbm>>
    %dma_start3A_382 = tpu.memref_squeeze %dma_start3A_381 : memref<1x8192x1024xf32, #tpu.memory_space<hbm>> -> memref<8192x1024xf32, #tpu.memory_space<hbm>>
    %dma_start3A_383 = arith.constant 0 : i32
    %dma_start3A_384 = tpu.memref_slice %dma_start3A_382[%add3A_377, %dma_start3A_383] : memref<8192x1024xf32, #tpu.memory_space<hbm>> -> memref<32x1024xf32, #tpu.memory_space<hbm>>
    %dma_start3A_385 = arith.constant 0 : i32
    %dma_start3A_386 = arith.constant 0 : i32
    %dma_start3A_387 = tpu.memref_slice %arg3[%dma_start3A_378, %dma_start3A_385, %dma_start3A_386] : memref<4x8192x1024xf32, #tpu.memory_space<hbm>> -> memref<1x8192x1024xf32, #tpu.memory_space<hbm>>
    %dma_start3A_388 = tpu.memref_squeeze %dma_start3A_387 : memref<1x8192x1024xf32, #tpu.memory_space<hbm>> -> memref<8192x1024xf32, #tpu.memory_space<hbm>>
    %dma_start3A_389 = arith.constant 0 : i32
    %dma_start3A_390 = tpu.memref_slice %dma_start3A_388[%add3A_377, %dma_start3A_389] : memref<8192x1024xf32, #tpu.memory_space<hbm>> -> memref<32x1024xf32, #tpu.memory_space<hbm>>
    tpu.enqueue_dma source(%arg4 : memref<32x1024xf32, #tpu.memory_space<vmem>>) target(%dma_start3A_390 : memref<32x1024xf32, #tpu.memory_space<hbm>>) target_semaphore(%arg8 : memref<!tpu.dma_semaphore, #tpu.memory_space<semaphore_mem>>)
    %dma_wait3A_391 = arith.constant 0 : i32
    %dma_wait3A_392 = arith.constant 0 : i32
    %dma_wait3A_393 = arith.constant 0 : i32
    %dma_wait3A_394 = tpu.memref_slice %arg3[%dma_wait3A_391, %dma_wait3A_392, %dma_wait3A_393] : memref<4x8192x1024xf32, #tpu.memory_space<hbm>> -> memref<1x8192x1024xf32, #tpu.memory_space<hbm>>
    %dma_wait3A_395 = tpu.memref_squeeze %dma_wait3A_394 : memref<1x8192x1024xf32, #tpu.memory_space<hbm>> -> memref<8192x1024xf32, #tpu.memory_space<hbm>>
    %dma_wait3A_396 = arith.constant 0 : i32
    %dma_wait3A_397 = tpu.memref_slice %dma_wait3A_395[%add3A_210, %dma_wait3A_396] : memref<8192x1024xf32, #tpu.memory_space<hbm>> -> memref<32x1024xf32, #tpu.memory_space<hbm>>
    %dma_wait3A_398 = arith.constant 0 : i32
    %dma_wait3A_399 = arith.constant 0 : i32
    %dma_wait3A_400 = tpu.memref_slice %arg3[%dma_wait3A_391, %dma_wait3A_398, %dma_wait3A_399] : memref<4x8192x1024xf32, #tpu.memory_space<hbm>> -> memref<1x8192x1024xf32, #tpu.memory_space<hbm>>
    %dma_wait3A_401 = tpu.memref_squeeze %dma_wait3A_400 : memref<1x8192x1024xf32, #tpu.memory_space<hbm>> -> memref<8192x1024xf32, #tpu.memory_space<hbm>>
    %dma_wait3A_402 = arith.constant 0 : i32
    %dma_wait3A_403 = tpu.memref_slice %dma_wait3A_401[%add3A_210, %dma_wait3A_402] : memref<8192x1024xf32, #tpu.memory_space<hbm>> -> memref<32x1024xf32, #tpu.memory_space<hbm>>
    tpu.wait_dma2 semaphore(%arg8 : memref<!tpu.dma_semaphore, #tpu.memory_space<semaphore_mem>>) src(%arg6 : memref<32x1024xf32, #tpu.memory_space<vmem>>) dst(%dma_wait3A_403 : memref<32x1024xf32, #tpu.memory_space<hbm>>)
    %dma_wait3A_404 = arith.constant 1 : i32
    %dma_wait3A_405 = arith.constant 0 : i32
    %dma_wait3A_406 = arith.constant 0 : i32
    %dma_wait3A_407 = tpu.memref_slice %arg3[%dma_wait3A_404, %dma_wait3A_405, %dma_wait3A_406] : memref<4x8192x1024xf32, #tpu.memory_space<hbm>> -> memref<1x8192x1024xf32, #tpu.memory_space<hbm>>
    %dma_wait3A_408 = tpu.memref_squeeze %dma_wait3A_407 : memref<1x8192x1024xf32, #tpu.memory_space<hbm>> -> memref<8192x1024xf32, #tpu.memory_space<hbm>>
    %dma_wait3A_409 = arith.constant 0 : i32
    %dma_wait3A_410 = tpu.memref_slice %dma_wait3A_408[%add3A_225, %dma_wait3A_409] : memref<8192x1024xf32, #tpu.memory_space<hbm>> -> memref<32x1024xf32, #tpu.memory_space<hbm>>
    %dma_wait3A_411 = arith.constant 0 : i32
    %dma_wait3A_412 = arith.constant 0 : i32
    %dma_wait3A_413 = tpu.memref_slice %arg3[%dma_wait3A_404, %dma_wait3A_411, %dma_wait3A_412] : memref<4x8192x1024xf32, #tpu.memory_space<hbm>> -> memref<1x8192x1024xf32, #tpu.memory_space<hbm>>
    %dma_wait3A_414 = tpu.memref_squeeze %dma_wait3A_413 : memref<1x8192x1024xf32, #tpu.memory_space<hbm>> -> memref<8192x1024xf32, #tpu.memory_space<hbm>>
    %dma_wait3A_415 = arith.constant 0 : i32
    %dma_wait3A_416 = tpu.memref_slice %dma_wait3A_414[%add3A_225, %dma_wait3A_415] : memref<8192x1024xf32, #tpu.memory_space<hbm>> -> memref<32x1024xf32, #tpu.memory_space<hbm>>
    tpu.wait_dma2 semaphore(%arg8 : memref<!tpu.dma_semaphore, #tpu.memory_space<semaphore_mem>>) src(%arg6 : memref<32x1024xf32, #tpu.memory_space<vmem>>) dst(%dma_wait3A_416 : memref<32x1024xf32, #tpu.memory_space<hbm>>)
    %dma_wait3A_417 = arith.constant 2 : i32
    %dma_wait3A_418 = arith.constant 0 : i32
    %dma_wait3A_419 = arith.constant 0 : i32
    %dma_wait3A_420 = tpu.memref_slice %arg3[%dma_wait3A_417, %dma_wait3A_418, %dma_wait3A_419] : memref<4x8192x1024xf32, #tpu.memory_space<hbm>> -> memref<1x8192x1024xf32, #tpu.memory_space<hbm>>
    %dma_wait3A_421 = tpu.memref_squeeze %dma_wait3A_420 : memref<1x8192x1024xf32, #tpu.memory_space<hbm>> -> memref<8192x1024xf32, #tpu.memory_space<hbm>>
    %dma_wait3A_422 = arith.constant 0 : i32
    %dma_wait3A_423 = tpu.memref_slice %dma_wait3A_421[%add3A_240, %dma_wait3A_422] : memref<8192x1024xf32, #tpu.memory_space<hbm>> -> memref<32x1024xf32, #tpu.memory_space<hbm>>
    %dma_wait3A_424 = arith.constant 0 : i32
    %dma_wait3A_425 = arith.constant 0 : i32
    %dma_wait3A_426 = tpu.memref_slice %arg3[%dma_wait3A_417, %dma_wait3A_424, %dma_wait3A_425] : memref<4x8192x1024xf32, #tpu.memory_space<hbm>> -> memref<1x8192x1024xf32, #tpu.memory_space<hbm>>
    %dma_wait3A_427 = tpu.memref_squeeze %dma_wait3A_426 : memref<1x8192x1024xf32, #tpu.memory_space<hbm>> -> memref<8192x1024xf32, #tpu.memory_space<hbm>>
    %dma_wait3A_428 = arith.constant 0 : i32
    %dma_wait3A_429 = tpu.memref_slice %dma_wait3A_427[%add3A_240, %dma_wait3A_428] : memref<8192x1024xf32, #tpu.memory_space<hbm>> -> memref<32x1024xf32, #tpu.memory_space<hbm>>
    tpu.wait_dma2 semaphore(%arg8 : memref<!tpu.dma_semaphore, #tpu.memory_space<semaphore_mem>>) src(%arg6 : memref<32x1024xf32, #tpu.memory_space<vmem>>) dst(%dma_wait3A_429 : memref<32x1024xf32, #tpu.memory_space<hbm>>)
    %dma_wait3A_430 = arith.constant 3 : i32
    %dma_wait3A_431 = arith.constant 0 : i32
    %dma_wait3A_432 = arith.constant 0 : i32
    %dma_wait3A_433 = tpu.memref_slice %arg3[%dma_wait3A_430, %dma_wait3A_431, %dma_wait3A_432] : memref<4x8192x1024xf32, #tpu.memory_space<hbm>> -> memref<1x8192x1024xf32, #tpu.memory_space<hbm>>
    %dma_wait3A_434 = tpu.memref_squeeze %dma_wait3A_433 : memref<1x8192x1024xf32, #tpu.memory_space<hbm>> -> memref<8192x1024xf32, #tpu.memory_space<hbm>>
    %dma_wait3A_435 = arith.constant 0 : i32
    %dma_wait3A_436 = tpu.memref_slice %dma_wait3A_434[%add3A_255, %dma_wait3A_435] : memref<8192x1024xf32, #tpu.memory_space<hbm>> -> memref<32x1024xf32, #tpu.memory_space<hbm>>
    %dma_wait3A_437 = arith.constant 0 : i32
    %dma_wait3A_438 = arith.constant 0 : i32
    %dma_wait3A_439 = tpu.memref_slice %arg3[%dma_wait3A_430, %dma_wait3A_437, %dma_wait3A_438] : memref<4x8192x1024xf32, #tpu.memory_space<hbm>> -> memref<1x8192x1024xf32, #tpu.memory_space<hbm>>
    %dma_wait3A_440 = tpu.memref_squeeze %dma_wait3A_439 : memref<1x8192x1024xf32, #tpu.memory_space<hbm>> -> memref<8192x1024xf32, #tpu.memory_space<hbm>>
    %dma_wait3A_441 = arith.constant 0 : i32
    %dma_wait3A_442 = tpu.memref_slice %dma_wait3A_440[%add3A_255, %dma_wait3A_441] : memref<8192x1024xf32, #tpu.memory_space<hbm>> -> memref<32x1024xf32, #tpu.memory_space<hbm>>
    tpu.wait_dma2 semaphore(%arg8 : memref<!tpu.dma_semaphore, #tpu.memory_space<semaphore_mem>>) src(%arg6 : memref<32x1024xf32, #tpu.memory_space<vmem>>) dst(%dma_wait3A_442 : memref<32x1024xf32, #tpu.memory_space<hbm>>)
    %add3A_443 = arith.constant 160 : i32
    %add3A_444 = arith.addi %mul3A_2, %add3A_443 : i32
    %dma_start3A_445 = arith.constant 0 : i32
    %dma_start3A_446 = tpu.memref_slice %arg2[%add3A_444, %dma_start3A_445] : memref<8193x1024xf32, #tpu.memory_space<hbm>> -> memref<32x1024xf32, #tpu.memory_space<hbm>>
    %dma_start3A_447 = arith.constant 0 : i32
    %dma_start3A_448 = tpu.memref_slice %arg2[%add3A_444, %dma_start3A_447] : memref<8193x1024xf32, #tpu.memory_space<hbm>> -> memref<32x1024xf32, #tpu.memory_space<hbm>>
    tpu.enqueue_dma source(%dma_start3A_448 : memref<32x1024xf32, #tpu.memory_space<hbm>>) target(%arg6 : memref<32x1024xf32, #tpu.memory_space<vmem>>) target_semaphore(%arg7 : memref<!tpu.dma_semaphore, #tpu.memory_space<semaphore_mem>>)
    %dma_wait3A_449 = arith.constant 0 : i32
    %dma_wait3A_450 = tpu.memref_slice %arg2[%add3A_322, %dma_wait3A_449] : memref<8193x1024xf32, #tpu.memory_space<hbm>> -> memref<32x1024xf32, #tpu.memory_space<hbm>>
    %dma_wait3A_451 = arith.constant 0 : i32
    %dma_wait3A_452 = tpu.memref_slice %arg2[%add3A_322, %dma_wait3A_451] : memref<8193x1024xf32, #tpu.memory_space<hbm>> -> memref<32x1024xf32, #tpu.memory_space<hbm>>
    tpu.wait_dma2 semaphore(%arg7 : memref<!tpu.dma_semaphore, #tpu.memory_space<semaphore_mem>>) src(%dma_wait3A_452 : memref<32x1024xf32, #tpu.memory_space<hbm>>) dst(%arg5 : memref<32x1024xf32, #tpu.memory_space<vmem>>)
    %add3A_453 = arith.constant 128 : i32
    %add3A_454 = arith.addi %mul3A_2, %add3A_453 : i32
    %dma_start3A_455 = arith.constant 0 : i32
    %dma_start3A_456 = arith.constant 0 : i32
    %dma_start3A_457 = arith.constant 0 : i32
    %dma_start3A_458 = tpu.memref_slice %arg3[%dma_start3A_455, %dma_start3A_456, %dma_start3A_457] : memref<4x8192x1024xf32, #tpu.memory_space<hbm>> -> memref<1x8192x1024xf32, #tpu.memory_space<hbm>>
    %dma_start3A_459 = tpu.memref_squeeze %dma_start3A_458 : memref<1x8192x1024xf32, #tpu.memory_space<hbm>> -> memref<8192x1024xf32, #tpu.memory_space<hbm>>
    %dma_start3A_460 = arith.constant 0 : i32
    %dma_start3A_461 = tpu.memref_slice %dma_start3A_459[%add3A_454, %dma_start3A_460] : memref<8192x1024xf32, #tpu.memory_space<hbm>> -> memref<32x1024xf32, #tpu.memory_space<hbm>>
    %dma_start3A_462 = arith.constant 0 : i32
    %dma_start3A_463 = arith.constant 0 : i32
    %dma_start3A_464 = tpu.memref_slice %arg3[%dma_start3A_455, %dma_start3A_462, %dma_start3A_463] : memref<4x8192x1024xf32, #tpu.memory_space<hbm>> -> memref<1x8192x1024xf32, #tpu.memory_space<hbm>>
    %dma_start3A_465 = tpu.memref_squeeze %dma_start3A_464 : memref<1x8192x1024xf32, #tpu.memory_space<hbm>> -> memref<8192x1024xf32, #tpu.memory_space<hbm>>
    %dma_start3A_466 = arith.constant 0 : i32
    %dma_start3A_467 = tpu.memref_slice %dma_start3A_465[%add3A_454, %dma_start3A_466] : memref<8192x1024xf32, #tpu.memory_space<hbm>> -> memref<32x1024xf32, #tpu.memory_space<hbm>>
    tpu.enqueue_dma source(%arg5 : memref<32x1024xf32, #tpu.memory_space<vmem>>) target(%dma_start3A_467 : memref<32x1024xf32, #tpu.memory_space<hbm>>) target_semaphore(%arg8 : memref<!tpu.dma_semaphore, #tpu.memory_space<semaphore_mem>>)
    %add3A_468 = arith.constant 128 : i32
    %add3A_469 = arith.addi %mul3A_2, %add3A_468 : i32
    %dma_start3A_470 = arith.constant 1 : i32
    %dma_start3A_471 = arith.constant 0 : i32
    %dma_start3A_472 = arith.constant 0 : i32
    %dma_start3A_473 = tpu.memref_slice %arg3[%dma_start3A_470, %dma_start3A_471, %dma_start3A_472] : memref<4x8192x1024xf32, #tpu.memory_space<hbm>> -> memref<1x8192x1024xf32, #tpu.memory_space<hbm>>
    %dma_start3A_474 = tpu.memref_squeeze %dma_start3A_473 : memref<1x8192x1024xf32, #tpu.memory_space<hbm>> -> memref<8192x1024xf32, #tpu.memory_space<hbm>>
    %dma_start3A_475 = arith.constant 0 : i32
    %dma_start3A_476 = tpu.memref_slice %dma_start3A_474[%add3A_469, %dma_start3A_475] : memref<8192x1024xf32, #tpu.memory_space<hbm>> -> memref<32x1024xf32, #tpu.memory_space<hbm>>
    %dma_start3A_477 = arith.constant 0 : i32
    %dma_start3A_478 = arith.constant 0 : i32
    %dma_start3A_479 = tpu.memref_slice %arg3[%dma_start3A_470, %dma_start3A_477, %dma_start3A_478] : memref<4x8192x1024xf32, #tpu.memory_space<hbm>> -> memref<1x8192x1024xf32, #tpu.memory_space<hbm>>
    %dma_start3A_480 = tpu.memref_squeeze %dma_start3A_479 : memref<1x8192x1024xf32, #tpu.memory_space<hbm>> -> memref<8192x1024xf32, #tpu.memory_space<hbm>>
    %dma_start3A_481 = arith.constant 0 : i32
    %dma_start3A_482 = tpu.memref_slice %dma_start3A_480[%add3A_469, %dma_start3A_481] : memref<8192x1024xf32, #tpu.memory_space<hbm>> -> memref<32x1024xf32, #tpu.memory_space<hbm>>
    tpu.enqueue_dma source(%arg5 : memref<32x1024xf32, #tpu.memory_space<vmem>>) target(%dma_start3A_482 : memref<32x1024xf32, #tpu.memory_space<hbm>>) target_semaphore(%arg8 : memref<!tpu.dma_semaphore, #tpu.memory_space<semaphore_mem>>)
    %add3A_483 = arith.constant 128 : i32
    %add3A_484 = arith.addi %mul3A_2, %add3A_483 : i32
    %dma_start3A_485 = arith.constant 2 : i32
    %dma_start3A_486 = arith.constant 0 : i32
    %dma_start3A_487 = arith.constant 0 : i32
    %dma_start3A_488 = tpu.memref_slice %arg3[%dma_start3A_485, %dma_start3A_486, %dma_start3A_487] : memref<4x8192x1024xf32, #tpu.memory_space<hbm>> -> memref<1x8192x1024xf32, #tpu.memory_space<hbm>>
    %dma_start3A_489 = tpu.memref_squeeze %dma_start3A_488 : memref<1x8192x1024xf32, #tpu.memory_space<hbm>> -> memref<8192x1024xf32, #tpu.memory_space<hbm>>
    %dma_start3A_490 = arith.constant 0 : i32
    %dma_start3A_491 = tpu.memref_slice %dma_start3A_489[%add3A_484, %dma_start3A_490] : memref<8192x1024xf32, #tpu.memory_space<hbm>> -> memref<32x1024xf32, #tpu.memory_space<hbm>>
    %dma_start3A_492 = arith.constant 0 : i32
    %dma_start3A_493 = arith.constant 0 : i32
    %dma_start3A_494 = tpu.memref_slice %arg3[%dma_start3A_485, %dma_start3A_492, %dma_start3A_493] : memref<4x8192x1024xf32, #tpu.memory_space<hbm>> -> memref<1x8192x1024xf32, #tpu.memory_space<hbm>>
    %dma_start3A_495 = tpu.memref_squeeze %dma_start3A_494 : memref<1x8192x1024xf32, #tpu.memory_space<hbm>> -> memref<8192x1024xf32, #tpu.memory_space<hbm>>
    %dma_start3A_496 = arith.constant 0 : i32
    %dma_start3A_497 = tpu.memref_slice %dma_start3A_495[%add3A_484, %dma_start3A_496] : memref<8192x1024xf32, #tpu.memory_space<hbm>> -> memref<32x1024xf32, #tpu.memory_space<hbm>>
    tpu.enqueue_dma source(%arg5 : memref<32x1024xf32, #tpu.memory_space<vmem>>) target(%dma_start3A_497 : memref<32x1024xf32, #tpu.memory_space<hbm>>) target_semaphore(%arg8 : memref<!tpu.dma_semaphore, #tpu.memory_space<semaphore_mem>>)
    %add3A_498 = arith.constant 128 : i32
    %add3A_499 = arith.addi %mul3A_2, %add3A_498 : i32
    %dma_start3A_500 = arith.constant 3 : i32
    %dma_start3A_501 = arith.constant 0 : i32
    %dma_start3A_502 = arith.constant 0 : i32
    %dma_start3A_503 = tpu.memref_slice %arg3[%dma_start3A_500, %dma_start3A_501, %dma_start3A_502] : memref<4x8192x1024xf32, #tpu.memory_space<hbm>> -> memref<1x8192x1024xf32, #tpu.memory_space<hbm>>
    %dma_start3A_504 = tpu.memref_squeeze %dma_start3A_503 : memref<1x8192x1024xf32, #tpu.memory_space<hbm>> -> memref<8192x1024xf32, #tpu.memory_space<hbm>>
    %dma_start3A_505 = arith.constant 0 : i32
    %dma_start3A_506 = tpu.memref_slice %dma_start3A_504[%add3A_499, %dma_start3A_505] : memref<8192x1024xf32, #tpu.memory_space<hbm>> -> memref<32x1024xf32, #tpu.memory_space<hbm>>
    %dma_start3A_507 = arith.constant 0 : i32
    %dma_start3A_508 = arith.constant 0 : i32
    %dma_start3A_509 = tpu.memref_slice %arg3[%dma_start3A_500, %dma_start3A_507, %dma_start3A_508] : memref<4x8192x1024xf32, #tpu.memory_space<hbm>> -> memref<1x8192x1024xf32, #tpu.memory_space<hbm>>
    %dma_start3A_510 = tpu.memref_squeeze %dma_start3A_509 : memref<1x8192x1024xf32, #tpu.memory_space<hbm>> -> memref<8192x1024xf32, #tpu.memory_space<hbm>>
    %dma_start3A_511 = arith.constant 0 : i32
    %dma_start3A_512 = tpu.memref_slice %dma_start3A_510[%add3A_499, %dma_start3A_511] : memref<8192x1024xf32, #tpu.memory_space<hbm>> -> memref<32x1024xf32, #tpu.memory_space<hbm>>
    tpu.enqueue_dma source(%arg5 : memref<32x1024xf32, #tpu.memory_space<vmem>>) target(%dma_start3A_512 : memref<32x1024xf32, #tpu.memory_space<hbm>>) target_semaphore(%arg8 : memref<!tpu.dma_semaphore, #tpu.memory_space<semaphore_mem>>)
    %dma_wait3A_513 = arith.constant 0 : i32
    %dma_wait3A_514 = arith.constant 0 : i32
    %dma_wait3A_515 = arith.constant 0 : i32
    %dma_wait3A_516 = tpu.memref_slice %arg3[%dma_wait3A_513, %dma_wait3A_514, %dma_wait3A_515] : memref<4x8192x1024xf32, #tpu.memory_space<hbm>> -> memref<1x8192x1024xf32, #tpu.memory_space<hbm>>
    %dma_wait3A_517 = tpu.memref_squeeze %dma_wait3A_516 : memref<1x8192x1024xf32, #tpu.memory_space<hbm>> -> memref<8192x1024xf32, #tpu.memory_space<hbm>>
    %dma_wait3A_518 = arith.constant 0 : i32
    %dma_wait3A_519 = tpu.memref_slice %dma_wait3A_517[%add3A_332, %dma_wait3A_518] : memref<8192x1024xf32, #tpu.memory_space<hbm>> -> memref<32x1024xf32, #tpu.memory_space<hbm>>
    %dma_wait3A_520 = arith.constant 0 : i32
    %dma_wait3A_521 = arith.constant 0 : i32
    %dma_wait3A_522 = tpu.memref_slice %arg3[%dma_wait3A_513, %dma_wait3A_520, %dma_wait3A_521] : memref<4x8192x1024xf32, #tpu.memory_space<hbm>> -> memref<1x8192x1024xf32, #tpu.memory_space<hbm>>
    %dma_wait3A_523 = tpu.memref_squeeze %dma_wait3A_522 : memref<1x8192x1024xf32, #tpu.memory_space<hbm>> -> memref<8192x1024xf32, #tpu.memory_space<hbm>>
    %dma_wait3A_524 = arith.constant 0 : i32
    %dma_wait3A_525 = tpu.memref_slice %dma_wait3A_523[%add3A_332, %dma_wait3A_524] : memref<8192x1024xf32, #tpu.memory_space<hbm>> -> memref<32x1024xf32, #tpu.memory_space<hbm>>
    tpu.wait_dma2 semaphore(%arg8 : memref<!tpu.dma_semaphore, #tpu.memory_space<semaphore_mem>>) src(%arg4 : memref<32x1024xf32, #tpu.memory_space<vmem>>) dst(%dma_wait3A_525 : memref<32x1024xf32, #tpu.memory_space<hbm>>)
    %dma_wait3A_526 = arith.constant 1 : i32
    %dma_wait3A_527 = arith.constant 0 : i32
    %dma_wait3A_528 = arith.constant 0 : i32
    %dma_wait3A_529 = tpu.memref_slice %arg3[%dma_wait3A_526, %dma_wait3A_527, %dma_wait3A_528] : memref<4x8192x1024xf32, #tpu.memory_space<hbm>> -> memref<1x8192x1024xf32, #tpu.memory_space<hbm>>
    %dma_wait3A_530 = tpu.memref_squeeze %dma_wait3A_529 : memref<1x8192x1024xf32, #tpu.memory_space<hbm>> -> memref<8192x1024xf32, #tpu.memory_space<hbm>>
    %dma_wait3A_531 = arith.constant 0 : i32
    %dma_wait3A_532 = tpu.memref_slice %dma_wait3A_530[%add3A_347, %dma_wait3A_531] : memref<8192x1024xf32, #tpu.memory_space<hbm>> -> memref<32x1024xf32, #tpu.memory_space<hbm>>
    %dma_wait3A_533 = arith.constant 0 : i32
    %dma_wait3A_534 = arith.constant 0 : i32
    %dma_wait3A_535 = tpu.memref_slice %arg3[%dma_wait3A_526, %dma_wait3A_533, %dma_wait3A_534] : memref<4x8192x1024xf32, #tpu.memory_space<hbm>> -> memref<1x8192x1024xf32, #tpu.memory_space<hbm>>
    %dma_wait3A_536 = tpu.memref_squeeze %dma_wait3A_535 : memref<1x8192x1024xf32, #tpu.memory_space<hbm>> -> memref<8192x1024xf32, #tpu.memory_space<hbm>>
    %dma_wait3A_537 = arith.constant 0 : i32
    %dma_wait3A_538 = tpu.memref_slice %dma_wait3A_536[%add3A_347, %dma_wait3A_537] : memref<8192x1024xf32, #tpu.memory_space<hbm>> -> memref<32x1024xf32, #tpu.memory_space<hbm>>
    tpu.wait_dma2 semaphore(%arg8 : memref<!tpu.dma_semaphore, #tpu.memory_space<semaphore_mem>>) src(%arg4 : memref<32x1024xf32, #tpu.memory_space<vmem>>) dst(%dma_wait3A_538 : memref<32x1024xf32, #tpu.memory_space<hbm>>)
    %dma_wait3A_539 = arith.constant 2 : i32
    %dma_wait3A_540 = arith.constant 0 : i32
    %dma_wait3A_541 = arith.constant 0 : i32
    %dma_wait3A_542 = tpu.memref_slice %arg3[%dma_wait3A_539, %dma_wait3A_540, %dma_wait3A_541] : memref<4x8192x1024xf32, #tpu.memory_space<hbm>> -> memref<1x8192x1024xf32, #tpu.memory_space<hbm>>
    %dma_wait3A_543 = tpu.memref_squeeze %dma_wait3A_542 : memref<1x8192x1024xf32, #tpu.memory_space<hbm>> -> memref<8192x1024xf32, #tpu.memory_space<hbm>>
    %dma_wait3A_544 = arith.constant 0 : i32
    %dma_wait3A_545 = tpu.memref_slice %dma_wait3A_543[%add3A_362, %dma_wait3A_544] : memref<8192x1024xf32, #tpu.memory_space<hbm>> -> memref<32x1024xf32, #tpu.memory_space<hbm>>
    %dma_wait3A_546 = arith.constant 0 : i32
    %dma_wait3A_547 = arith.constant 0 : i32
    %dma_wait3A_548 = tpu.memref_slice %arg3[%dma_wait3A_539, %dma_wait3A_546, %dma_wait3A_547] : memref<4x8192x1024xf32, #tpu.memory_space<hbm>> -> memref<1x8192x1024xf32, #tpu.memory_space<hbm>>
    %dma_wait3A_549 = tpu.memref_squeeze %dma_wait3A_548 : memref<1x8192x1024xf32, #tpu.memory_space<hbm>> -> memref<8192x1024xf32, #tpu.memory_space<hbm>>
    %dma_wait3A_550 = arith.constant 0 : i32
    %dma_wait3A_551 = tpu.memref_slice %dma_wait3A_549[%add3A_362, %dma_wait3A_550] : memref<8192x1024xf32, #tpu.memory_space<hbm>> -> memref<32x1024xf32, #tpu.memory_space<hbm>>
    tpu.wait_dma2 semaphore(%arg8 : memref<!tpu.dma_semaphore, #tpu.memory_space<semaphore_mem>>) src(%arg4 : memref<32x1024xf32, #tpu.memory_space<vmem>>) dst(%dma_wait3A_551 : memref<32x1024xf32, #tpu.memory_space<hbm>>)
    %dma_wait3A_552 = arith.constant 3 : i32
    %dma_wait3A_553 = arith.constant 0 : i32
    %dma_wait3A_554 = arith.constant 0 : i32
    %dma_wait3A_555 = tpu.memref_slice %arg3[%dma_wait3A_552, %dma_wait3A_553, %dma_wait3A_554] : memref<4x8192x1024xf32, #tpu.memory_space<hbm>> -> memref<1x8192x1024xf32, #tpu.memory_space<hbm>>
    %dma_wait3A_556 = tpu.memref_squeeze %dma_wait3A_555 : memref<1x8192x1024xf32, #tpu.memory_space<hbm>> -> memref<8192x1024xf32, #tpu.memory_space<hbm>>
    %dma_wait3A_557 = arith.constant 0 : i32
    %dma_wait3A_558 = tpu.memref_slice %dma_wait3A_556[%add3A_377, %dma_wait3A_557] : memref<8192x1024xf32, #tpu.memory_space<hbm>> -> memref<32x1024xf32, #tpu.memory_space<hbm>>
    %dma_wait3A_559 = arith.constant 0 : i32
    %dma_wait3A_560 = arith.constant 0 : i32
    %dma_wait3A_561 = tpu.memref_slice %arg3[%dma_wait3A_552, %dma_wait3A_559, %dma_wait3A_560] : memref<4x8192x1024xf32, #tpu.memory_space<hbm>> -> memref<1x8192x1024xf32, #tpu.memory_space<hbm>>
    %dma_wait3A_562 = tpu.memref_squeeze %dma_wait3A_561 : memref<1x8192x1024xf32, #tpu.memory_space<hbm>> -> memref<8192x1024xf32, #tpu.memory_space<hbm>>
    %dma_wait3A_563 = arith.constant 0 : i32
    %dma_wait3A_564 = tpu.memref_slice %dma_wait3A_562[%add3A_377, %dma_wait3A_563] : memref<8192x1024xf32, #tpu.memory_space<hbm>> -> memref<32x1024xf32, #tpu.memory_space<hbm>>
    tpu.wait_dma2 semaphore(%arg8 : memref<!tpu.dma_semaphore, #tpu.memory_space<semaphore_mem>>) src(%arg4 : memref<32x1024xf32, #tpu.memory_space<vmem>>) dst(%dma_wait3A_564 : memref<32x1024xf32, #tpu.memory_space<hbm>>)
    %add3A_565 = arith.constant 192 : i32
    %add3A_566 = arith.addi %mul3A_2, %add3A_565 : i32
    %dma_start3A_567 = arith.constant 0 : i32
    %dma_start3A_568 = tpu.memref_slice %arg2[%add3A_566, %dma_start3A_567] : memref<8193x1024xf32, #tpu.memory_space<hbm>> -> memref<32x1024xf32, #tpu.memory_space<hbm>>
    %dma_start3A_569 = arith.constant 0 : i32
    %dma_start3A_570 = tpu.memref_slice %arg2[%add3A_566, %dma_start3A_569] : memref<8193x1024xf32, #tpu.memory_space<hbm>> -> memref<32x1024xf32, #tpu.memory_space<hbm>>
    tpu.enqueue_dma source(%dma_start3A_570 : memref<32x1024xf32, #tpu.memory_space<hbm>>) target(%arg4 : memref<32x1024xf32, #tpu.memory_space<vmem>>) target_semaphore(%arg7 : memref<!tpu.dma_semaphore, #tpu.memory_space<semaphore_mem>>)
    %dma_wait3A_571 = arith.constant 0 : i32
    %dma_wait3A_572 = tpu.memref_slice %arg2[%add3A_444, %dma_wait3A_571] : memref<8193x1024xf32, #tpu.memory_space<hbm>> -> memref<32x1024xf32, #tpu.memory_space<hbm>>
    %dma_wait3A_573 = arith.constant 0 : i32
    %dma_wait3A_574 = tpu.memref_slice %arg2[%add3A_444, %dma_wait3A_573] : memref<8193x1024xf32, #tpu.memory_space<hbm>> -> memref<32x1024xf32, #tpu.memory_space<hbm>>
    tpu.wait_dma2 semaphore(%arg7 : memref<!tpu.dma_semaphore, #tpu.memory_space<semaphore_mem>>) src(%dma_wait3A_574 : memref<32x1024xf32, #tpu.memory_space<hbm>>) dst(%arg6 : memref<32x1024xf32, #tpu.memory_space<vmem>>)
    %add3A_575 = arith.constant 160 : i32
    %add3A_576 = arith.addi %mul3A_2, %add3A_575 : i32
    %dma_start3A_577 = arith.constant 0 : i32
    %dma_start3A_578 = arith.constant 0 : i32
    %dma_start3A_579 = arith.constant 0 : i32
    %dma_start3A_580 = tpu.memref_slice %arg3[%dma_start3A_577, %dma_start3A_578, %dma_start3A_579] : memref<4x8192x1024xf32, #tpu.memory_space<hbm>> -> memref<1x8192x1024xf32, #tpu.memory_space<hbm>>
    %dma_start3A_581 = tpu.memref_squeeze %dma_start3A_580 : memref<1x8192x1024xf32, #tpu.memory_space<hbm>> -> memref<8192x1024xf32, #tpu.memory_space<hbm>>
    %dma_start3A_582 = arith.constant 0 : i32
    %dma_start3A_583 = tpu.memref_slice %dma_start3A_581[%add3A_576, %dma_start3A_582] : memref<8192x1024xf32, #tpu.memory_space<hbm>> -> memref<32x1024xf32, #tpu.memory_space<hbm>>
    %dma_start3A_584 = arith.constant 0 : i32
    %dma_start3A_585 = arith.constant 0 : i32
    %dma_start3A_586 = tpu.memref_slice %arg3[%dma_start3A_577, %dma_start3A_584, %dma_start3A_585] : memref<4x8192x1024xf32, #tpu.memory_space<hbm>> -> memref<1x8192x1024xf32, #tpu.memory_space<hbm>>
    %dma_start3A_587 = tpu.memref_squeeze %dma_start3A_586 : memref<1x8192x1024xf32, #tpu.memory_space<hbm>> -> memref<8192x1024xf32, #tpu.memory_space<hbm>>
    %dma_start3A_588 = arith.constant 0 : i32
    %dma_start3A_589 = tpu.memref_slice %dma_start3A_587[%add3A_576, %dma_start3A_588] : memref<8192x1024xf32, #tpu.memory_space<hbm>> -> memref<32x1024xf32, #tpu.memory_space<hbm>>
    tpu.enqueue_dma source(%arg6 : memref<32x1024xf32, #tpu.memory_space<vmem>>) target(%dma_start3A_589 : memref<32x1024xf32, #tpu.memory_space<hbm>>) target_semaphore(%arg8 : memref<!tpu.dma_semaphore, #tpu.memory_space<semaphore_mem>>)
    %add3A_590 = arith.constant 160 : i32
    %add3A_591 = arith.addi %mul3A_2, %add3A_590 : i32
    %dma_start3A_592 = arith.constant 1 : i32
    %dma_start3A_593 = arith.constant 0 : i32
    %dma_start3A_594 = arith.constant 0 : i32
    %dma_start3A_595 = tpu.memref_slice %arg3[%dma_start3A_592, %dma_start3A_593, %dma_start3A_594] : memref<4x8192x1024xf32, #tpu.memory_space<hbm>> -> memref<1x8192x1024xf32, #tpu.memory_space<hbm>>
    %dma_start3A_596 = tpu.memref_squeeze %dma_start3A_595 : memref<1x8192x1024xf32, #tpu.memory_space<hbm>> -> memref<8192x1024xf32, #tpu.memory_space<hbm>>
    %dma_start3A_597 = arith.constant 0 : i32
    %dma_start3A_598 = tpu.memref_slice %dma_start3A_596[%add3A_591, %dma_start3A_597] : memref<8192x1024xf32, #tpu.memory_space<hbm>> -> memref<32x1024xf32, #tpu.memory_space<hbm>>
    %dma_start3A_599 = arith.constant 0 : i32
    %dma_start3A_600 = arith.constant 0 : i32
    %dma_start3A_601 = tpu.memref_slice %arg3[%dma_start3A_592, %dma_start3A_599, %dma_start3A_600] : memref<4x8192x1024xf32, #tpu.memory_space<hbm>> -> memref<1x8192x1024xf32, #tpu.memory_space<hbm>>
    %dma_start3A_602 = tpu.memref_squeeze %dma_start3A_601 : memref<1x8192x1024xf32, #tpu.memory_space<hbm>> -> memref<8192x1024xf32, #tpu.memory_space<hbm>>
    %dma_start3A_603 = arith.constant 0 : i32
    %dma_start3A_604 = tpu.memref_slice %dma_start3A_602[%add3A_591, %dma_start3A_603] : memref<8192x1024xf32, #tpu.memory_space<hbm>> -> memref<32x1024xf32, #tpu.memory_space<hbm>>
    tpu.enqueue_dma source(%arg6 : memref<32x1024xf32, #tpu.memory_space<vmem>>) target(%dma_start3A_604 : memref<32x1024xf32, #tpu.memory_space<hbm>>) target_semaphore(%arg8 : memref<!tpu.dma_semaphore, #tpu.memory_space<semaphore_mem>>)
    %add3A_605 = arith.constant 160 : i32
    %add3A_606 = arith.addi %mul3A_2, %add3A_605 : i32
    %dma_start3A_607 = arith.constant 2 : i32
    %dma_start3A_608 = arith.constant 0 : i32
    %dma_start3A_609 = arith.constant 0 : i32
    %dma_start3A_610 = tpu.memref_slice %arg3[%dma_start3A_607, %dma_start3A_608, %dma_start3A_609] : memref<4x8192x1024xf32, #tpu.memory_space<hbm>> -> memref<1x8192x1024xf32, #tpu.memory_space<hbm>>
    %dma_start3A_611 = tpu.memref_squeeze %dma_start3A_610 : memref<1x8192x1024xf32, #tpu.memory_space<hbm>> -> memref<8192x1024xf32, #tpu.memory_space<hbm>>
    %dma_start3A_612 = arith.constant 0 : i32
    %dma_start3A_613 = tpu.memref_slice %dma_start3A_611[%add3A_606, %dma_start3A_612] : memref<8192x1024xf32, #tpu.memory_space<hbm>> -> memref<32x1024xf32, #tpu.memory_space<hbm>>
    %dma_start3A_614 = arith.constant 0 : i32
    %dma_start3A_615 = arith.constant 0 : i32
    %dma_start3A_616 = tpu.memref_slice %arg3[%dma_start3A_607, %dma_start3A_614, %dma_start3A_615] : memref<4x8192x1024xf32, #tpu.memory_space<hbm>> -> memref<1x8192x1024xf32, #tpu.memory_space<hbm>>
    %dma_start3A_617 = tpu.memref_squeeze %dma_start3A_616 : memref<1x8192x1024xf32, #tpu.memory_space<hbm>> -> memref<8192x1024xf32, #tpu.memory_space<hbm>>
    %dma_start3A_618 = arith.constant 0 : i32
    %dma_start3A_619 = tpu.memref_slice %dma_start3A_617[%add3A_606, %dma_start3A_618] : memref<8192x1024xf32, #tpu.memory_space<hbm>> -> memref<32x1024xf32, #tpu.memory_space<hbm>>
    tpu.enqueue_dma source(%arg6 : memref<32x1024xf32, #tpu.memory_space<vmem>>) target(%dma_start3A_619 : memref<32x1024xf32, #tpu.memory_space<hbm>>) target_semaphore(%arg8 : memref<!tpu.dma_semaphore, #tpu.memory_space<semaphore_mem>>)
    %add3A_620 = arith.constant 160 : i32
    %add3A_621 = arith.addi %mul3A_2, %add3A_620 : i32
    %dma_start3A_622 = arith.constant 3 : i32
    %dma_start3A_623 = arith.constant 0 : i32
    %dma_start3A_624 = arith.constant 0 : i32
    %dma_start3A_625 = tpu.memref_slice %arg3[%dma_start3A_622, %dma_start3A_623, %dma_start3A_624] : memref<4x8192x1024xf32, #tpu.memory_space<hbm>> -> memref<1x8192x1024xf32, #tpu.memory_space<hbm>>
    %dma_start3A_626 = tpu.memref_squeeze %dma_start3A_625 : memref<1x8192x1024xf32, #tpu.memory_space<hbm>> -> memref<8192x1024xf32, #tpu.memory_space<hbm>>
    %dma_start3A_627 = arith.constant 0 : i32
    %dma_start3A_628 = tpu.memref_slice %dma_start3A_626[%add3A_621, %dma_start3A_627] : memref<8192x1024xf32, #tpu.memory_space<hbm>> -> memref<32x1024xf32, #tpu.memory_space<hbm>>
    %dma_start3A_629 = arith.constant 0 : i32
    %dma_start3A_630 = arith.constant 0 : i32
    %dma_start3A_631 = tpu.memref_slice %arg3[%dma_start3A_622, %dma_start3A_629, %dma_start3A_630] : memref<4x8192x1024xf32, #tpu.memory_space<hbm>> -> memref<1x8192x1024xf32, #tpu.memory_space<hbm>>
    %dma_start3A_632 = tpu.memref_squeeze %dma_start3A_631 : memref<1x8192x1024xf32, #tpu.memory_space<hbm>> -> memref<8192x1024xf32, #tpu.memory_space<hbm>>
    %dma_start3A_633 = arith.constant 0 : i32
    %dma_start3A_634 = tpu.memref_slice %dma_start3A_632[%add3A_621, %dma_start3A_633] : memref<8192x1024xf32, #tpu.memory_space<hbm>> -> memref<32x1024xf32, #tpu.memory_space<hbm>>
    tpu.enqueue_dma source(%arg6 : memref<32x1024xf32, #tpu.memory_space<vmem>>) target(%dma_start3A_634 : memref<32x1024xf32, #tpu.memory_space<hbm>>) target_semaphore(%arg8 : memref<!tpu.dma_semaphore, #tpu.memory_space<semaphore_mem>>)
    %dma_wait3A_635 = arith.constant 0 : i32
    %dma_wait3A_636 = arith.constant 0 : i32
    %dma_wait3A_637 = arith.constant 0 : i32
    %dma_wait3A_638 = tpu.memref_slice %arg3[%dma_wait3A_635, %dma_wait3A_636, %dma_wait3A_637] : memref<4x8192x1024xf32, #tpu.memory_space<hbm>> -> memref<1x8192x1024xf32, #tpu.memory_space<hbm>>
    %dma_wait3A_639 = tpu.memref_squeeze %dma_wait3A_638 : memref<1x8192x1024xf32, #tpu.memory_space<hbm>> -> memref<8192x1024xf32, #tpu.memory_space<hbm>>
    %dma_wait3A_640 = arith.constant 0 : i32
    %dma_wait3A_641 = tpu.memref_slice %dma_wait3A_639[%add3A_454, %dma_wait3A_640] : memref<8192x1024xf32, #tpu.memory_space<hbm>> -> memref<32x1024xf32, #tpu.memory_space<hbm>>
    %dma_wait3A_642 = arith.constant 0 : i32
    %dma_wait3A_643 = arith.constant 0 : i32
    %dma_wait3A_644 = tpu.memref_slice %arg3[%dma_wait3A_635, %dma_wait3A_642, %dma_wait3A_643] : memref<4x8192x1024xf32, #tpu.memory_space<hbm>> -> memref<1x8192x1024xf32, #tpu.memory_space<hbm>>
    %dma_wait3A_645 = tpu.memref_squeeze %dma_wait3A_644 : memref<1x8192x1024xf32, #tpu.memory_space<hbm>> -> memref<8192x1024xf32, #tpu.memory_space<hbm>>
    %dma_wait3A_646 = arith.constant 0 : i32
    %dma_wait3A_647 = tpu.memref_slice %dma_wait3A_645[%add3A_454, %dma_wait3A_646] : memref<8192x1024xf32, #tpu.memory_space<hbm>> -> memref<32x1024xf32, #tpu.memory_space<hbm>>
    tpu.wait_dma2 semaphore(%arg8 : memref<!tpu.dma_semaphore, #tpu.memory_space<semaphore_mem>>) src(%arg5 : memref<32x1024xf32, #tpu.memory_space<vmem>>) dst(%dma_wait3A_647 : memref<32x1024xf32, #tpu.memory_space<hbm>>)
    %dma_wait3A_648 = arith.constant 1 : i32
    %dma_wait3A_649 = arith.constant 0 : i32
    %dma_wait3A_650 = arith.constant 0 : i32
    %dma_wait3A_651 = tpu.memref_slice %arg3[%dma_wait3A_648, %dma_wait3A_649, %dma_wait3A_650] : memref<4x8192x1024xf32, #tpu.memory_space<hbm>> -> memref<1x8192x1024xf32, #tpu.memory_space<hbm>>
    %dma_wait3A_652 = tpu.memref_squeeze %dma_wait3A_651 : memref<1x8192x1024xf32, #tpu.memory_space<hbm>> -> memref<8192x1024xf32, #tpu.memory_space<hbm>>
    %dma_wait3A_653 = arith.constant 0 : i32
    %dma_wait3A_654 = tpu.memref_slice %dma_wait3A_652[%add3A_469, %dma_wait3A_653] : memref<8192x1024xf32, #tpu.memory_space<hbm>> -> memref<32x1024xf32, #tpu.memory_space<hbm>>
    %dma_wait3A_655 = arith.constant 0 : i32
    %dma_wait3A_656 = arith.constant 0 : i32
    %dma_wait3A_657 = tpu.memref_slice %arg3[%dma_wait3A_648, %dma_wait3A_655, %dma_wait3A_656] : memref<4x8192x1024xf32, #tpu.memory_space<hbm>> -> memref<1x8192x1024xf32, #tpu.memory_space<hbm>>
    %dma_wait3A_658 = tpu.memref_squeeze %dma_wait3A_657 : memref<1x8192x1024xf32, #tpu.memory_space<hbm>> -> memref<8192x1024xf32, #tpu.memory_space<hbm>>
    %dma_wait3A_659 = arith.constant 0 : i32
    %dma_wait3A_660 = tpu.memref_slice %dma_wait3A_658[%add3A_469, %dma_wait3A_659] : memref<8192x1024xf32, #tpu.memory_space<hbm>> -> memref<32x1024xf32, #tpu.memory_space<hbm>>
    tpu.wait_dma2 semaphore(%arg8 : memref<!tpu.dma_semaphore, #tpu.memory_space<semaphore_mem>>) src(%arg5 : memref<32x1024xf32, #tpu.memory_space<vmem>>) dst(%dma_wait3A_660 : memref<32x1024xf32, #tpu.memory_space<hbm>>)
    %dma_wait3A_661 = arith.constant 2 : i32
    %dma_wait3A_662 = arith.constant 0 : i32
    %dma_wait3A_663 = arith.constant 0 : i32
    %dma_wait3A_664 = tpu.memref_slice %arg3[%dma_wait3A_661, %dma_wait3A_662, %dma_wait3A_663] : memref<4x8192x1024xf32, #tpu.memory_space<hbm>> -> memref<1x8192x1024xf32, #tpu.memory_space<hbm>>
    %dma_wait3A_665 = tpu.memref_squeeze %dma_wait3A_664 : memref<1x8192x1024xf32, #tpu.memory_space<hbm>> -> memref<8192x1024xf32, #tpu.memory_space<hbm>>
    %dma_wait3A_666 = arith.constant 0 : i32
    %dma_wait3A_667 = tpu.memref_slice %dma_wait3A_665[%add3A_484, %dma_wait3A_666] : memref<8192x1024xf32, #tpu.memory_space<hbm>> -> memref<32x1024xf32, #tpu.memory_space<hbm>>
    %dma_wait3A_668 = arith.constant 0 : i32
    %dma_wait3A_669 = arith.constant 0 : i32
    %dma_wait3A_670 = tpu.memref_slice %arg3[%dma_wait3A_661, %dma_wait3A_668, %dma_wait3A_669] : memref<4x8192x1024xf32, #tpu.memory_space<hbm>> -> memref<1x8192x1024xf32, #tpu.memory_space<hbm>>
    %dma_wait3A_671 = tpu.memref_squeeze %dma_wait3A_670 : memref<1x8192x1024xf32, #tpu.memory_space<hbm>> -> memref<8192x1024xf32, #tpu.memory_space<hbm>>
    %dma_wait3A_672 = arith.constant 0 : i32
    %dma_wait3A_673 = tpu.memref_slice %dma_wait3A_671[%add3A_484, %dma_wait3A_672] : memref<8192x1024xf32, #tpu.memory_space<hbm>> -> memref<32x1024xf32, #tpu.memory_space<hbm>>
    tpu.wait_dma2 semaphore(%arg8 : memref<!tpu.dma_semaphore, #tpu.memory_space<semaphore_mem>>) src(%arg5 : memref<32x1024xf32, #tpu.memory_space<vmem>>) dst(%dma_wait3A_673 : memref<32x1024xf32, #tpu.memory_space<hbm>>)
    %dma_wait3A_674 = arith.constant 3 : i32
    %dma_wait3A_675 = arith.constant 0 : i32
    %dma_wait3A_676 = arith.constant 0 : i32
    %dma_wait3A_677 = tpu.memref_slice %arg3[%dma_wait3A_674, %dma_wait3A_675, %dma_wait3A_676] : memref<4x8192x1024xf32, #tpu.memory_space<hbm>> -> memref<1x8192x1024xf32, #tpu.memory_space<hbm>>
    %dma_wait3A_678 = tpu.memref_squeeze %dma_wait3A_677 : memref<1x8192x1024xf32, #tpu.memory_space<hbm>> -> memref<8192x1024xf32, #tpu.memory_space<hbm>>
    %dma_wait3A_679 = arith.constant 0 : i32
    %dma_wait3A_680 = tpu.memref_slice %dma_wait3A_678[%add3A_499, %dma_wait3A_679] : memref<8192x1024xf32, #tpu.memory_space<hbm>> -> memref<32x1024xf32, #tpu.memory_space<hbm>>
    %dma_wait3A_681 = arith.constant 0 : i32
    %dma_wait3A_682 = arith.constant 0 : i32
    %dma_wait3A_683 = tpu.memref_slice %arg3[%dma_wait3A_674, %dma_wait3A_681, %dma_wait3A_682] : memref<4x8192x1024xf32, #tpu.memory_space<hbm>> -> memref<1x8192x1024xf32, #tpu.memory_space<hbm>>
    %dma_wait3A_684 = tpu.memref_squeeze %dma_wait3A_683 : memref<1x8192x1024xf32, #tpu.memory_space<hbm>> -> memref<8192x1024xf32, #tpu.memory_space<hbm>>
    %dma_wait3A_685 = arith.constant 0 : i32
    %dma_wait3A_686 = tpu.memref_slice %dma_wait3A_684[%add3A_499, %dma_wait3A_685] : memref<8192x1024xf32, #tpu.memory_space<hbm>> -> memref<32x1024xf32, #tpu.memory_space<hbm>>
    tpu.wait_dma2 semaphore(%arg8 : memref<!tpu.dma_semaphore, #tpu.memory_space<semaphore_mem>>) src(%arg5 : memref<32x1024xf32, #tpu.memory_space<vmem>>) dst(%dma_wait3A_686 : memref<32x1024xf32, #tpu.memory_space<hbm>>)
    %add3A_687 = arith.constant 224 : i32
    %add3A_688 = arith.addi %mul3A_2, %add3A_687 : i32
    %dma_start3A_689 = arith.constant 0 : i32
    %dma_start3A_690 = tpu.memref_slice %arg2[%add3A_688, %dma_start3A_689] : memref<8193x1024xf32, #tpu.memory_space<hbm>> -> memref<32x1024xf32, #tpu.memory_space<hbm>>
    %dma_start3A_691 = arith.constant 0 : i32
    %dma_start3A_692 = tpu.memref_slice %arg2[%add3A_688, %dma_start3A_691] : memref<8193x1024xf32, #tpu.memory_space<hbm>> -> memref<32x1024xf32, #tpu.memory_space<hbm>>
    tpu.enqueue_dma source(%dma_start3A_692 : memref<32x1024xf32, #tpu.memory_space<hbm>>) target(%arg5 : memref<32x1024xf32, #tpu.memory_space<vmem>>) target_semaphore(%arg7 : memref<!tpu.dma_semaphore, #tpu.memory_space<semaphore_mem>>)
    %dma_wait3A_693 = arith.constant 0 : i32
    %dma_wait3A_694 = tpu.memref_slice %arg2[%add3A_566, %dma_wait3A_693] : memref<8193x1024xf32, #tpu.memory_space<hbm>> -> memref<32x1024xf32, #tpu.memory_space<hbm>>
    %dma_wait3A_695 = arith.constant 0 : i32
    %dma_wait3A_696 = tpu.memref_slice %arg2[%add3A_566, %dma_wait3A_695] : memref<8193x1024xf32, #tpu.memory_space<hbm>> -> memref<32x1024xf32, #tpu.memory_space<hbm>>
    tpu.wait_dma2 semaphore(%arg7 : memref<!tpu.dma_semaphore, #tpu.memory_space<semaphore_mem>>) src(%dma_wait3A_696 : memref<32x1024xf32, #tpu.memory_space<hbm>>) dst(%arg4 : memref<32x1024xf32, #tpu.memory_space<vmem>>)
    %add3A_697 = arith.constant 192 : i32
    %add3A_698 = arith.addi %mul3A_2, %add3A_697 : i32
    %dma_start3A_699 = arith.constant 0 : i32
    %dma_start3A_700 = arith.constant 0 : i32
    %dma_start3A_701 = arith.constant 0 : i32
    %dma_start3A_702 = tpu.memref_slice %arg3[%dma_start3A_699, %dma_start3A_700, %dma_start3A_701] : memref<4x8192x1024xf32, #tpu.memory_space<hbm>> -> memref<1x8192x1024xf32, #tpu.memory_space<hbm>>
    %dma_start3A_703 = tpu.memref_squeeze %dma_start3A_702 : memref<1x8192x1024xf32, #tpu.memory_space<hbm>> -> memref<8192x1024xf32, #tpu.memory_space<hbm>>
    %dma_start3A_704 = arith.constant 0 : i32
    %dma_start3A_705 = tpu.memref_slice %dma_start3A_703[%add3A_698, %dma_start3A_704] : memref<8192x1024xf32, #tpu.memory_space<hbm>> -> memref<32x1024xf32, #tpu.memory_space<hbm>>
    %dma_start3A_706 = arith.constant 0 : i32
    %dma_start3A_707 = arith.constant 0 : i32
    %dma_start3A_708 = tpu.memref_slice %arg3[%dma_start3A_699, %dma_start3A_706, %dma_start3A_707] : memref<4x8192x1024xf32, #tpu.memory_space<hbm>> -> memref<1x8192x1024xf32, #tpu.memory_space<hbm>>
    %dma_start3A_709 = tpu.memref_squeeze %dma_start3A_708 : memref<1x8192x1024xf32, #tpu.memory_space<hbm>> -> memref<8192x1024xf32, #tpu.memory_space<hbm>>
    %dma_start3A_710 = arith.constant 0 : i32
    %dma_start3A_711 = tpu.memref_slice %dma_start3A_709[%add3A_698, %dma_start3A_710] : memref<8192x1024xf32, #tpu.memory_space<hbm>> -> memref<32x1024xf32, #tpu.memory_space<hbm>>
    tpu.enqueue_dma source(%arg4 : memref<32x1024xf32, #tpu.memory_space<vmem>>) target(%dma_start3A_711 : memref<32x1024xf32, #tpu.memory_space<hbm>>) target_semaphore(%arg8 : memref<!tpu.dma_semaphore, #tpu.memory_space<semaphore_mem>>)
    %add3A_712 = arith.constant 192 : i32
    %add3A_713 = arith.addi %mul3A_2, %add3A_712 : i32
    %dma_start3A_714 = arith.constant 1 : i32
    %dma_start3A_715 = arith.constant 0 : i32
    %dma_start3A_716 = arith.constant 0 : i32
    %dma_start3A_717 = tpu.memref_slice %arg3[%dma_start3A_714, %dma_start3A_715, %dma_start3A_716] : memref<4x8192x1024xf32, #tpu.memory_space<hbm>> -> memref<1x8192x1024xf32, #tpu.memory_space<hbm>>
    %dma_start3A_718 = tpu.memref_squeeze %dma_start3A_717 : memref<1x8192x1024xf32, #tpu.memory_space<hbm>> -> memref<8192x1024xf32, #tpu.memory_space<hbm>>
    %dma_start3A_719 = arith.constant 0 : i32
    %dma_start3A_720 = tpu.memref_slice %dma_start3A_718[%add3A_713, %dma_start3A_719] : memref<8192x1024xf32, #tpu.memory_space<hbm>> -> memref<32x1024xf32, #tpu.memory_space<hbm>>
    %dma_start3A_721 = arith.constant 0 : i32
    %dma_start3A_722 = arith.constant 0 : i32
    %dma_start3A_723 = tpu.memref_slice %arg3[%dma_start3A_714, %dma_start3A_721, %dma_start3A_722] : memref<4x8192x1024xf32, #tpu.memory_space<hbm>> -> memref<1x8192x1024xf32, #tpu.memory_space<hbm>>
    %dma_start3A_724 = tpu.memref_squeeze %dma_start3A_723 : memref<1x8192x1024xf32, #tpu.memory_space<hbm>> -> memref<8192x1024xf32, #tpu.memory_space<hbm>>
    %dma_start3A_725 = arith.constant 0 : i32
    %dma_start3A_726 = tpu.memref_slice %dma_start3A_724[%add3A_713, %dma_start3A_725] : memref<8192x1024xf32, #tpu.memory_space<hbm>> -> memref<32x1024xf32, #tpu.memory_space<hbm>>
    tpu.enqueue_dma source(%arg4 : memref<32x1024xf32, #tpu.memory_space<vmem>>) target(%dma_start3A_726 : memref<32x1024xf32, #tpu.memory_space<hbm>>) target_semaphore(%arg8 : memref<!tpu.dma_semaphore, #tpu.memory_space<semaphore_mem>>)
    %add3A_727 = arith.constant 192 : i32
    %add3A_728 = arith.addi %mul3A_2, %add3A_727 : i32
    %dma_start3A_729 = arith.constant 2 : i32
    %dma_start3A_730 = arith.constant 0 : i32
    %dma_start3A_731 = arith.constant 0 : i32
    %dma_start3A_732 = tpu.memref_slice %arg3[%dma_start3A_729, %dma_start3A_730, %dma_start3A_731] : memref<4x8192x1024xf32, #tpu.memory_space<hbm>> -> memref<1x8192x1024xf32, #tpu.memory_space<hbm>>
    %dma_start3A_733 = tpu.memref_squeeze %dma_start3A_732 : memref<1x8192x1024xf32, #tpu.memory_space<hbm>> -> memref<8192x1024xf32, #tpu.memory_space<hbm>>
    %dma_start3A_734 = arith.constant 0 : i32
    %dma_start3A_735 = tpu.memref_slice %dma_start3A_733[%add3A_728, %dma_start3A_734] : memref<8192x1024xf32, #tpu.memory_space<hbm>> -> memref<32x1024xf32, #tpu.memory_space<hbm>>
    %dma_start3A_736 = arith.constant 0 : i32
    %dma_start3A_737 = arith.constant 0 : i32
    %dma_start3A_738 = tpu.memref_slice %arg3[%dma_start3A_729, %dma_start3A_736, %dma_start3A_737] : memref<4x8192x1024xf32, #tpu.memory_space<hbm>> -> memref<1x8192x1024xf32, #tpu.memory_space<hbm>>
    %dma_start3A_739 = tpu.memref_squeeze %dma_start3A_738 : memref<1x8192x1024xf32, #tpu.memory_space<hbm>> -> memref<8192x1024xf32, #tpu.memory_space<hbm>>
    %dma_start3A_740 = arith.constant 0 : i32
    %dma_start3A_741 = tpu.memref_slice %dma_start3A_739[%add3A_728, %dma_start3A_740] : memref<8192x1024xf32, #tpu.memory_space<hbm>> -> memref<32x1024xf32, #tpu.memory_space<hbm>>
    tpu.enqueue_dma source(%arg4 : memref<32x1024xf32, #tpu.memory_space<vmem>>) target(%dma_start3A_741 : memref<32x1024xf32, #tpu.memory_space<hbm>>) target_semaphore(%arg8 : memref<!tpu.dma_semaphore, #tpu.memory_space<semaphore_mem>>)
    %add3A_742 = arith.constant 192 : i32
    %add3A_743 = arith.addi %mul3A_2, %add3A_742 : i32
    %dma_start3A_744 = arith.constant 3 : i32
    %dma_start3A_745 = arith.constant 0 : i32
    %dma_start3A_746 = arith.constant 0 : i32
    %dma_start3A_747 = tpu.memref_slice %arg3[%dma_start3A_744, %dma_start3A_745, %dma_start3A_746] : memref<4x8192x1024xf32, #tpu.memory_space<hbm>> -> memref<1x8192x1024xf32, #tpu.memory_space<hbm>>
    %dma_start3A_748 = tpu.memref_squeeze %dma_start3A_747 : memref<1x8192x1024xf32, #tpu.memory_space<hbm>> -> memref<8192x1024xf32, #tpu.memory_space<hbm>>
    %dma_start3A_749 = arith.constant 0 : i32
    %dma_start3A_750 = tpu.memref_slice %dma_start3A_748[%add3A_743, %dma_start3A_749] : memref<8192x1024xf32, #tpu.memory_space<hbm>> -> memref<32x1024xf32, #tpu.memory_space<hbm>>
    %dma_start3A_751 = arith.constant 0 : i32
    %dma_start3A_752 = arith.constant 0 : i32
    %dma_start3A_753 = tpu.memref_slice %arg3[%dma_start3A_744, %dma_start3A_751, %dma_start3A_752] : memref<4x8192x1024xf32, #tpu.memory_space<hbm>> -> memref<1x8192x1024xf32, #tpu.memory_space<hbm>>
    %dma_start3A_754 = tpu.memref_squeeze %dma_start3A_753 : memref<1x8192x1024xf32, #tpu.memory_space<hbm>> -> memref<8192x1024xf32, #tpu.memory_space<hbm>>
    %dma_start3A_755 = arith.constant 0 : i32
    %dma_start3A_756 = tpu.memref_slice %dma_start3A_754[%add3A_743, %dma_start3A_755] : memref<8192x1024xf32, #tpu.memory_space<hbm>> -> memref<32x1024xf32, #tpu.memory_space<hbm>>
    tpu.enqueue_dma source(%arg4 : memref<32x1024xf32, #tpu.memory_space<vmem>>) target(%dma_start3A_756 : memref<32x1024xf32, #tpu.memory_space<hbm>>) target_semaphore(%arg8 : memref<!tpu.dma_semaphore, #tpu.memory_space<semaphore_mem>>)
    %dma_wait3A_757 = arith.constant 0 : i32
    %dma_wait3A_758 = tpu.memref_slice %arg2[%add3A_688, %dma_wait3A_757] : memref<8193x1024xf32, #tpu.memory_space<hbm>> -> memref<32x1024xf32, #tpu.memory_space<hbm>>
    %dma_wait3A_759 = arith.constant 0 : i32
    %dma_wait3A_760 = tpu.memref_slice %arg2[%add3A_688, %dma_wait3A_759] : memref<8193x1024xf32, #tpu.memory_space<hbm>> -> memref<32x1024xf32, #tpu.memory_space<hbm>>
    tpu.wait_dma2 semaphore(%arg7 : memref<!tpu.dma_semaphore, #tpu.memory_space<semaphore_mem>>) src(%dma_wait3A_760 : memref<32x1024xf32, #tpu.memory_space<hbm>>) dst(%arg5 : memref<32x1024xf32, #tpu.memory_space<vmem>>)
    %add3A_761 = arith.constant 224 : i32
    %add3A_762 = arith.addi %mul3A_2, %add3A_761 : i32
    %dma_start3A_763 = arith.constant 0 : i32
    %dma_start3A_764 = arith.constant 0 : i32
    %dma_start3A_765 = arith.constant 0 : i32
    %dma_start3A_766 = tpu.memref_slice %arg3[%dma_start3A_763, %dma_start3A_764, %dma_start3A_765] : memref<4x8192x1024xf32, #tpu.memory_space<hbm>> -> memref<1x8192x1024xf32, #tpu.memory_space<hbm>>
    %dma_start3A_767 = tpu.memref_squeeze %dma_start3A_766 : memref<1x8192x1024xf32, #tpu.memory_space<hbm>> -> memref<8192x1024xf32, #tpu.memory_space<hbm>>
    %dma_start3A_768 = arith.constant 0 : i32
    %dma_start3A_769 = tpu.memref_slice %dma_start3A_767[%add3A_762, %dma_start3A_768] : memref<8192x1024xf32, #tpu.memory_space<hbm>> -> memref<32x1024xf32, #tpu.memory_space<hbm>>
    %dma_start3A_770 = arith.constant 0 : i32
    %dma_start3A_771 = arith.constant 0 : i32
    %dma_start3A_772 = tpu.memref_slice %arg3[%dma_start3A_763, %dma_start3A_770, %dma_start3A_771] : memref<4x8192x1024xf32, #tpu.memory_space<hbm>> -> memref<1x8192x1024xf32, #tpu.memory_space<hbm>>
    %dma_start3A_773 = tpu.memref_squeeze %dma_start3A_772 : memref<1x8192x1024xf32, #tpu.memory_space<hbm>> -> memref<8192x1024xf32, #tpu.memory_space<hbm>>
    %dma_start3A_774 = arith.constant 0 : i32
    %dma_start3A_775 = tpu.memref_slice %dma_start3A_773[%add3A_762, %dma_start3A_774] : memref<8192x1024xf32, #tpu.memory_space<hbm>> -> memref<32x1024xf32, #tpu.memory_space<hbm>>
    tpu.enqueue_dma source(%arg5 : memref<32x1024xf32, #tpu.memory_space<vmem>>) target(%dma_start3A_775 : memref<32x1024xf32, #tpu.memory_space<hbm>>) target_semaphore(%arg8 : memref<!tpu.dma_semaphore, #tpu.memory_space<semaphore_mem>>)
    %add3A_776 = arith.constant 224 : i32
    %add3A_777 = arith.addi %mul3A_2, %add3A_776 : i32
    %dma_start3A_778 = arith.constant 1 : i32
    %dma_start3A_779 = arith.constant 0 : i32
    %dma_start3A_780 = arith.constant 0 : i32
    %dma_start3A_781 = tpu.memref_slice %arg3[%dma_start3A_778, %dma_start3A_779, %dma_start3A_780] : memref<4x8192x1024xf32, #tpu.memory_space<hbm>> -> memref<1x8192x1024xf32, #tpu.memory_space<hbm>>
    %dma_start3A_782 = tpu.memref_squeeze %dma_start3A_781 : memref<1x8192x1024xf32, #tpu.memory_space<hbm>> -> memref<8192x1024xf32, #tpu.memory_space<hbm>>
    %dma_start3A_783 = arith.constant 0 : i32
    %dma_start3A_784 = tpu.memref_slice %dma_start3A_782[%add3A_777, %dma_start3A_783] : memref<8192x1024xf32, #tpu.memory_space<hbm>> -> memref<32x1024xf32, #tpu.memory_space<hbm>>
    %dma_start3A_785 = arith.constant 0 : i32
    %dma_start3A_786 = arith.constant 0 : i32
    %dma_start3A_787 = tpu.memref_slice %arg3[%dma_start3A_778, %dma_start3A_785, %dma_start3A_786] : memref<4x8192x1024xf32, #tpu.memory_space<hbm>> -> memref<1x8192x1024xf32, #tpu.memory_space<hbm>>
    %dma_start3A_788 = tpu.memref_squeeze %dma_start3A_787 : memref<1x8192x1024xf32, #tpu.memory_space<hbm>> -> memref<8192x1024xf32, #tpu.memory_space<hbm>>
    %dma_start3A_789 = arith.constant 0 : i32
    %dma_start3A_790 = tpu.memref_slice %dma_start3A_788[%add3A_777, %dma_start3A_789] : memref<8192x1024xf32, #tpu.memory_space<hbm>> -> memref<32x1024xf32, #tpu.memory_space<hbm>>
    tpu.enqueue_dma source(%arg5 : memref<32x1024xf32, #tpu.memory_space<vmem>>) target(%dma_start3A_790 : memref<32x1024xf32, #tpu.memory_space<hbm>>) target_semaphore(%arg8 : memref<!tpu.dma_semaphore, #tpu.memory_space<semaphore_mem>>)
    %add3A_791 = arith.constant 224 : i32
    %add3A_792 = arith.addi %mul3A_2, %add3A_791 : i32
    %dma_start3A_793 = arith.constant 2 : i32
    %dma_start3A_794 = arith.constant 0 : i32
    %dma_start3A_795 = arith.constant 0 : i32
    %dma_start3A_796 = tpu.memref_slice %arg3[%dma_start3A_793, %dma_start3A_794, %dma_start3A_795] : memref<4x8192x1024xf32, #tpu.memory_space<hbm>> -> memref<1x8192x1024xf32, #tpu.memory_space<hbm>>
    %dma_start3A_797 = tpu.memref_squeeze %dma_start3A_796 : memref<1x8192x1024xf32, #tpu.memory_space<hbm>> -> memref<8192x1024xf32, #tpu.memory_space<hbm>>
    %dma_start3A_798 = arith.constant 0 : i32
    %dma_start3A_799 = tpu.memref_slice %dma_start3A_797[%add3A_792, %dma_start3A_798] : memref<8192x1024xf32, #tpu.memory_space<hbm>> -> memref<32x1024xf32, #tpu.memory_space<hbm>>
    %dma_start3A_800 = arith.constant 0 : i32
    %dma_start3A_801 = arith.constant 0 : i32
    %dma_start3A_802 = tpu.memref_slice %arg3[%dma_start3A_793, %dma_start3A_800, %dma_start3A_801] : memref<4x8192x1024xf32, #tpu.memory_space<hbm>> -> memref<1x8192x1024xf32, #tpu.memory_space<hbm>>
    %dma_start3A_803 = tpu.memref_squeeze %dma_start3A_802 : memref<1x8192x1024xf32, #tpu.memory_space<hbm>> -> memref<8192x1024xf32, #tpu.memory_space<hbm>>
    %dma_start3A_804 = arith.constant 0 : i32
    %dma_start3A_805 = tpu.memref_slice %dma_start3A_803[%add3A_792, %dma_start3A_804] : memref<8192x1024xf32, #tpu.memory_space<hbm>> -> memref<32x1024xf32, #tpu.memory_space<hbm>>
    tpu.enqueue_dma source(%arg5 : memref<32x1024xf32, #tpu.memory_space<vmem>>) target(%dma_start3A_805 : memref<32x1024xf32, #tpu.memory_space<hbm>>) target_semaphore(%arg8 : memref<!tpu.dma_semaphore, #tpu.memory_space<semaphore_mem>>)
    %add3A_806 = arith.constant 224 : i32
    %add3A_807 = arith.addi %mul3A_2, %add3A_806 : i32
    %dma_start3A_808 = arith.constant 3 : i32
    %dma_start3A_809 = arith.constant 0 : i32
    %dma_start3A_810 = arith.constant 0 : i32
    %dma_start3A_811 = tpu.memref_slice %arg3[%dma_start3A_808, %dma_start3A_809, %dma_start3A_810] : memref<4x8192x1024xf32, #tpu.memory_space<hbm>> -> memref<1x8192x1024xf32, #tpu.memory_space<hbm>>
    %dma_start3A_812 = tpu.memref_squeeze %dma_start3A_811 : memref<1x8192x1024xf32, #tpu.memory_space<hbm>> -> memref<8192x1024xf32, #tpu.memory_space<hbm>>
    %dma_start3A_813 = arith.constant 0 : i32
    %dma_start3A_814 = tpu.memref_slice %dma_start3A_812[%add3A_807, %dma_start3A_813] : memref<8192x1024xf32, #tpu.memory_space<hbm>> -> memref<32x1024xf32, #tpu.memory_space<hbm>>
    %dma_start3A_815 = arith.constant 0 : i32
    %dma_start3A_816 = arith.constant 0 : i32
    %dma_start3A_817 = tpu.memref_slice %arg3[%dma_start3A_808, %dma_start3A_815, %dma_start3A_816] : memref<4x8192x1024xf32, #tpu.memory_space<hbm>> -> memref<1x8192x1024xf32, #tpu.memory_space<hbm>>
    %dma_start3A_818 = tpu.memref_squeeze %dma_start3A_817 : memref<1x8192x1024xf32, #tpu.memory_space<hbm>> -> memref<8192x1024xf32, #tpu.memory_space<hbm>>
    %dma_start3A_819 = arith.constant 0 : i32
    %dma_start3A_820 = tpu.memref_slice %dma_start3A_818[%add3A_807, %dma_start3A_819] : memref<8192x1024xf32, #tpu.memory_space<hbm>> -> memref<32x1024xf32, #tpu.memory_space<hbm>>
    tpu.enqueue_dma source(%arg5 : memref<32x1024xf32, #tpu.memory_space<vmem>>) target(%dma_start3A_820 : memref<32x1024xf32, #tpu.memory_space<hbm>>) target_semaphore(%arg8 : memref<!tpu.dma_semaphore, #tpu.memory_space<semaphore_mem>>)
    %dma_wait3A_821 = arith.constant 0 : i32
    %dma_wait3A_822 = arith.constant 0 : i32
    %dma_wait3A_823 = arith.constant 0 : i32
    %dma_wait3A_824 = tpu.memref_slice %arg3[%dma_wait3A_821, %dma_wait3A_822, %dma_wait3A_823] : memref<4x8192x1024xf32, #tpu.memory_space<hbm>> -> memref<1x8192x1024xf32, #tpu.memory_space<hbm>>
    %dma_wait3A_825 = tpu.memref_squeeze %dma_wait3A_824 : memref<1x8192x1024xf32, #tpu.memory_space<hbm>> -> memref<8192x1024xf32, #tpu.memory_space<hbm>>
    %dma_wait3A_826 = arith.constant 0 : i32
    %dma_wait3A_827 = tpu.memref_slice %dma_wait3A_825[%add3A_576, %dma_wait3A_826] : memref<8192x1024xf32, #tpu.memory_space<hbm>> -> memref<32x1024xf32, #tpu.memory_space<hbm>>
    %dma_wait3A_828 = arith.constant 0 : i32
    %dma_wait3A_829 = arith.constant 0 : i32
    %dma_wait3A_830 = tpu.memref_slice %arg3[%dma_wait3A_821, %dma_wait3A_828, %dma_wait3A_829] : memref<4x8192x1024xf32, #tpu.memory_space<hbm>> -> memref<1x8192x1024xf32, #tpu.memory_space<hbm>>
    %dma_wait3A_831 = tpu.memref_squeeze %dma_wait3A_830 : memref<1x8192x1024xf32, #tpu.memory_space<hbm>> -> memref<8192x1024xf32, #tpu.memory_space<hbm>>
    %dma_wait3A_832 = arith.constant 0 : i32
    %dma_wait3A_833 = tpu.memref_slice %dma_wait3A_831[%add3A_576, %dma_wait3A_832] : memref<8192x1024xf32, #tpu.memory_space<hbm>> -> memref<32x1024xf32, #tpu.memory_space<hbm>>
    tpu.wait_dma2 semaphore(%arg8 : memref<!tpu.dma_semaphore, #tpu.memory_space<semaphore_mem>>) src(%arg6 : memref<32x1024xf32, #tpu.memory_space<vmem>>) dst(%dma_wait3A_833 : memref<32x1024xf32, #tpu.memory_space<hbm>>)
    %dma_wait3A_834 = arith.constant 1 : i32
    %dma_wait3A_835 = arith.constant 0 : i32
    %dma_wait3A_836 = arith.constant 0 : i32
    %dma_wait3A_837 = tpu.memref_slice %arg3[%dma_wait3A_834, %dma_wait3A_835, %dma_wait3A_836] : memref<4x8192x1024xf32, #tpu.memory_space<hbm>> -> memref<1x8192x1024xf32, #tpu.memory_space<hbm>>
    %dma_wait3A_838 = tpu.memref_squeeze %dma_wait3A_837 : memref<1x8192x1024xf32, #tpu.memory_space<hbm>> -> memref<8192x1024xf32, #tpu.memory_space<hbm>>
    %dma_wait3A_839 = arith.constant 0 : i32
    %dma_wait3A_840 = tpu.memref_slice %dma_wait3A_838[%add3A_591, %dma_wait3A_839] : memref<8192x1024xf32, #tpu.memory_space<hbm>> -> memref<32x1024xf32, #tpu.memory_space<hbm>>
    %dma_wait3A_841 = arith.constant 0 : i32
    %dma_wait3A_842 = arith.constant 0 : i32
    %dma_wait3A_843 = tpu.memref_slice %arg3[%dma_wait3A_834, %dma_wait3A_841, %dma_wait3A_842] : memref<4x8192x1024xf32, #tpu.memory_space<hbm>> -> memref<1x8192x1024xf32, #tpu.memory_space<hbm>>
    %dma_wait3A_844 = tpu.memref_squeeze %dma_wait3A_843 : memref<1x8192x1024xf32, #tpu.memory_space<hbm>> -> memref<8192x1024xf32, #tpu.memory_space<hbm>>
    %dma_wait3A_845 = arith.constant 0 : i32
    %dma_wait3A_846 = tpu.memref_slice %dma_wait3A_844[%add3A_591, %dma_wait3A_845] : memref<8192x1024xf32, #tpu.memory_space<hbm>> -> memref<32x1024xf32, #tpu.memory_space<hbm>>
    tpu.wait_dma2 semaphore(%arg8 : memref<!tpu.dma_semaphore, #tpu.memory_space<semaphore_mem>>) src(%arg6 : memref<32x1024xf32, #tpu.memory_space<vmem>>) dst(%dma_wait3A_846 : memref<32x1024xf32, #tpu.memory_space<hbm>>)
    %dma_wait3A_847 = arith.constant 2 : i32
    %dma_wait3A_848 = arith.constant 0 : i32
    %dma_wait3A_849 = arith.constant 0 : i32
    %dma_wait3A_850 = tpu.memref_slice %arg3[%dma_wait3A_847, %dma_wait3A_848, %dma_wait3A_849] : memref<4x8192x1024xf32, #tpu.memory_space<hbm>> -> memref<1x8192x1024xf32, #tpu.memory_space<hbm>>
    %dma_wait3A_851 = tpu.memref_squeeze %dma_wait3A_850 : memref<1x8192x1024xf32, #tpu.memory_space<hbm>> -> memref<8192x1024xf32, #tpu.memory_space<hbm>>
    %dma_wait3A_852 = arith.constant 0 : i32
    %dma_wait3A_853 = tpu.memref_slice %dma_wait3A_851[%add3A_606, %dma_wait3A_852] : memref<8192x1024xf32, #tpu.memory_space<hbm>> -> memref<32x1024xf32, #tpu.memory_space<hbm>>
    %dma_wait3A_854 = arith.constant 0 : i32
    %dma_wait3A_855 = arith.constant 0 : i32
    %dma_wait3A_856 = tpu.memref_slice %arg3[%dma_wait3A_847, %dma_wait3A_854, %dma_wait3A_855] : memref<4x8192x1024xf32, #tpu.memory_space<hbm>> -> memref<1x8192x1024xf32, #tpu.memory_space<hbm>>
    %dma_wait3A_857 = tpu.memref_squeeze %dma_wait3A_856 : memref<1x8192x1024xf32, #tpu.memory_space<hbm>> -> memref<8192x1024xf32, #tpu.memory_space<hbm>>
    %dma_wait3A_858 = arith.constant 0 : i32
    %dma_wait3A_859 = tpu.memref_slice %dma_wait3A_857[%add3A_606, %dma_wait3A_858] : memref<8192x1024xf32, #tpu.memory_space<hbm>> -> memref<32x1024xf32, #tpu.memory_space<hbm>>
    tpu.wait_dma2 semaphore(%arg8 : memref<!tpu.dma_semaphore, #tpu.memory_space<semaphore_mem>>) src(%arg6 : memref<32x1024xf32, #tpu.memory_space<vmem>>) dst(%dma_wait3A_859 : memref<32x1024xf32, #tpu.memory_space<hbm>>)
    %dma_wait3A_860 = arith.constant 3 : i32
    %dma_wait3A_861 = arith.constant 0 : i32
    %dma_wait3A_862 = arith.constant 0 : i32
    %dma_wait3A_863 = tpu.memref_slice %arg3[%dma_wait3A_860, %dma_wait3A_861, %dma_wait3A_862] : memref<4x8192x1024xf32, #tpu.memory_space<hbm>> -> memref<1x8192x1024xf32, #tpu.memory_space<hbm>>
    %dma_wait3A_864 = tpu.memref_squeeze %dma_wait3A_863 : memref<1x8192x1024xf32, #tpu.memory_space<hbm>> -> memref<8192x1024xf32, #tpu.memory_space<hbm>>
    %dma_wait3A_865 = arith.constant 0 : i32
    %dma_wait3A_866 = tpu.memref_slice %dma_wait3A_864[%add3A_621, %dma_wait3A_865] : memref<8192x1024xf32, #tpu.memory_space<hbm>> -> memref<32x1024xf32, #tpu.memory_space<hbm>>
    %dma_wait3A_867 = arith.constant 0 : i32
    %dma_wait3A_868 = arith.constant 0 : i32
    %dma_wait3A_869 = tpu.memref_slice %arg3[%dma_wait3A_860, %dma_wait3A_867, %dma_wait3A_868] : memref<4x8192x1024xf32, #tpu.memory_space<hbm>> -> memref<1x8192x1024xf32, #tpu.memory_space<hbm>>
    %dma_wait3A_870 = tpu.memref_squeeze %dma_wait3A_869 : memref<1x8192x1024xf32, #tpu.memory_space<hbm>> -> memref<8192x1024xf32, #tpu.memory_space<hbm>>
    %dma_wait3A_871 = arith.constant 0 : i32
    %dma_wait3A_872 = tpu.memref_slice %dma_wait3A_870[%add3A_621, %dma_wait3A_871] : memref<8192x1024xf32, #tpu.memory_space<hbm>> -> memref<32x1024xf32, #tpu.memory_space<hbm>>
    tpu.wait_dma2 semaphore(%arg8 : memref<!tpu.dma_semaphore, #tpu.memory_space<semaphore_mem>>) src(%arg6 : memref<32x1024xf32, #tpu.memory_space<vmem>>) dst(%dma_wait3A_872 : memref<32x1024xf32, #tpu.memory_space<hbm>>)
    %dma_wait3A_873 = arith.constant 0 : i32
    %dma_wait3A_874 = arith.constant 0 : i32
    %dma_wait3A_875 = arith.constant 0 : i32
    %dma_wait3A_876 = tpu.memref_slice %arg3[%dma_wait3A_873, %dma_wait3A_874, %dma_wait3A_875] : memref<4x8192x1024xf32, #tpu.memory_space<hbm>> -> memref<1x8192x1024xf32, #tpu.memory_space<hbm>>
    %dma_wait3A_877 = tpu.memref_squeeze %dma_wait3A_876 : memref<1x8192x1024xf32, #tpu.memory_space<hbm>> -> memref<8192x1024xf32, #tpu.memory_space<hbm>>
    %dma_wait3A_878 = arith.constant 0 : i32
    %dma_wait3A_879 = tpu.memref_slice %dma_wait3A_877[%add3A_698, %dma_wait3A_878] : memref<8192x1024xf32, #tpu.memory_space<hbm>> -> memref<32x1024xf32, #tpu.memory_space<hbm>>
    %dma_wait3A_880 = arith.constant 0 : i32
    %dma_wait3A_881 = arith.constant 0 : i32
    %dma_wait3A_882 = tpu.memref_slice %arg3[%dma_wait3A_873, %dma_wait3A_880, %dma_wait3A_881] : memref<4x8192x1024xf32, #tpu.memory_space<hbm>> -> memref<1x8192x1024xf32, #tpu.memory_space<hbm>>
    %dma_wait3A_883 = tpu.memref_squeeze %dma_wait3A_882 : memref<1x8192x1024xf32, #tpu.memory_space<hbm>> -> memref<8192x1024xf32, #tpu.memory_space<hbm>>
    %dma_wait3A_884 = arith.constant 0 : i32
    %dma_wait3A_885 = tpu.memref_slice %dma_wait3A_883[%add3A_698, %dma_wait3A_884] : memref<8192x1024xf32, #tpu.memory_space<hbm>> -> memref<32x1024xf32, #tpu.memory_space<hbm>>
    tpu.wait_dma2 semaphore(%arg8 : memref<!tpu.dma_semaphore, #tpu.memory_space<semaphore_mem>>) src(%arg4 : memref<32x1024xf32, #tpu.memory_space<vmem>>) dst(%dma_wait3A_885 : memref<32x1024xf32, #tpu.memory_space<hbm>>)
    %dma_wait3A_886 = arith.constant 1 : i32
    %dma_wait3A_887 = arith.constant 0 : i32
    %dma_wait3A_888 = arith.constant 0 : i32
    %dma_wait3A_889 = tpu.memref_slice %arg3[%dma_wait3A_886, %dma_wait3A_887, %dma_wait3A_888] : memref<4x8192x1024xf32, #tpu.memory_space<hbm>> -> memref<1x8192x1024xf32, #tpu.memory_space<hbm>>
    %dma_wait3A_890 = tpu.memref_squeeze %dma_wait3A_889 : memref<1x8192x1024xf32, #tpu.memory_space<hbm>> -> memref<8192x1024xf32, #tpu.memory_space<hbm>>
    %dma_wait3A_891 = arith.constant 0 : i32
    %dma_wait3A_892 = tpu.memref_slice %dma_wait3A_890[%add3A_713, %dma_wait3A_891] : memref<8192x1024xf32, #tpu.memory_space<hbm>> -> memref<32x1024xf32, #tpu.memory_space<hbm>>
    %dma_wait3A_893 = arith.constant 0 : i32
    %dma_wait3A_894 = arith.constant 0 : i32
    %dma_wait3A_895 = tpu.memref_slice %arg3[%dma_wait3A_886, %dma_wait3A_893, %dma_wait3A_894] : memref<4x8192x1024xf32, #tpu.memory_space<hbm>> -> memref<1x8192x1024xf32, #tpu.memory_space<hbm>>
    %dma_wait3A_896 = tpu.memref_squeeze %dma_wait3A_895 : memref<1x8192x1024xf32, #tpu.memory_space<hbm>> -> memref<8192x1024xf32, #tpu.memory_space<hbm>>
    %dma_wait3A_897 = arith.constant 0 : i32
    %dma_wait3A_898 = tpu.memref_slice %dma_wait3A_896[%add3A_713, %dma_wait3A_897] : memref<8192x1024xf32, #tpu.memory_space<hbm>> -> memref<32x1024xf32, #tpu.memory_space<hbm>>
    tpu.wait_dma2 semaphore(%arg8 : memref<!tpu.dma_semaphore, #tpu.memory_space<semaphore_mem>>) src(%arg4 : memref<32x1024xf32, #tpu.memory_space<vmem>>) dst(%dma_wait3A_898 : memref<32x1024xf32, #tpu.memory_space<hbm>>)
    %dma_wait3A_899 = arith.constant 2 : i32
    %dma_wait3A_900 = arith.constant 0 : i32
    %dma_wait3A_901 = arith.constant 0 : i32
    %dma_wait3A_902 = tpu.memref_slice %arg3[%dma_wait3A_899, %dma_wait3A_900, %dma_wait3A_901] : memref<4x8192x1024xf32, #tpu.memory_space<hbm>> -> memref<1x8192x1024xf32, #tpu.memory_space<hbm>>
    %dma_wait3A_903 = tpu.memref_squeeze %dma_wait3A_902 : memref<1x8192x1024xf32, #tpu.memory_space<hbm>> -> memref<8192x1024xf32, #tpu.memory_space<hbm>>
    %dma_wait3A_904 = arith.constant 0 : i32
    %dma_wait3A_905 = tpu.memref_slice %dma_wait3A_903[%add3A_728, %dma_wait3A_904] : memref<8192x1024xf32, #tpu.memory_space<hbm>> -> memref<32x1024xf32, #tpu.memory_space<hbm>>
    %dma_wait3A_906 = arith.constant 0 : i32
    %dma_wait3A_907 = arith.constant 0 : i32
    %dma_wait3A_908 = tpu.memref_slice %arg3[%dma_wait3A_899, %dma_wait3A_906, %dma_wait3A_907] : memref<4x8192x1024xf32, #tpu.memory_space<hbm>> -> memref<1x8192x1024xf32, #tpu.memory_space<hbm>>
    %dma_wait3A_909 = tpu.memref_squeeze %dma_wait3A_908 : memref<1x8192x1024xf32, #tpu.memory_space<hbm>> -> memref<8192x1024xf32, #tpu.memory_space<hbm>>
    %dma_wait3A_910 = arith.constant 0 : i32
    %dma_wait3A_911 = tpu.memref_slice %dma_wait3A_909[%add3A_728, %dma_wait3A_910] : memref<8192x1024xf32, #tpu.memory_space<hbm>> -> memref<32x1024xf32, #tpu.memory_space<hbm>>
    tpu.wait_dma2 semaphore(%arg8 : memref<!tpu.dma_semaphore, #tpu.memory_space<semaphore_mem>>) src(%arg4 : memref<32x1024xf32, #tpu.memory_space<vmem>>) dst(%dma_wait3A_911 : memref<32x1024xf32, #tpu.memory_space<hbm>>)
    %dma_wait3A_912 = arith.constant 3 : i32
    %dma_wait3A_913 = arith.constant 0 : i32
    %dma_wait3A_914 = arith.constant 0 : i32
    %dma_wait3A_915 = tpu.memref_slice %arg3[%dma_wait3A_912, %dma_wait3A_913, %dma_wait3A_914] : memref<4x8192x1024xf32, #tpu.memory_space<hbm>> -> memref<1x8192x1024xf32, #tpu.memory_space<hbm>>
    %dma_wait3A_916 = tpu.memref_squeeze %dma_wait3A_915 : memref<1x8192x1024xf32, #tpu.memory_space<hbm>> -> memref<8192x1024xf32, #tpu.memory_space<hbm>>
    %dma_wait3A_917 = arith.constant 0 : i32
    %dma_wait3A_918 = tpu.memref_slice %dma_wait3A_916[%add3A_743, %dma_wait3A_917] : memref<8192x1024xf32, #tpu.memory_space<hbm>> -> memref<32x1024xf32, #tpu.memory_space<hbm>>
    %dma_wait3A_919 = arith.constant 0 : i32
    %dma_wait3A_920 = arith.constant 0 : i32
    %dma_wait3A_921 = tpu.memref_slice %arg3[%dma_wait3A_912, %dma_wait3A_919, %dma_wait3A_920] : memref<4x8192x1024xf32, #tpu.memory_space<hbm>> -> memref<1x8192x1024xf32, #tpu.memory_space<hbm>>
    %dma_wait3A_922 = tpu.memref_squeeze %dma_wait3A_921 : memref<1x8192x1024xf32, #tpu.memory_space<hbm>> -> memref<8192x1024xf32, #tpu.memory_space<hbm>>
    %dma_wait3A_923 = arith.constant 0 : i32
    %dma_wait3A_924 = tpu.memref_slice %dma_wait3A_922[%add3A_743, %dma_wait3A_923] : memref<8192x1024xf32, #tpu.memory_space<hbm>> -> memref<32x1024xf32, #tpu.memory_space<hbm>>
    tpu.wait_dma2 semaphore(%arg8 : memref<!tpu.dma_semaphore, #tpu.memory_space<semaphore_mem>>) src(%arg4 : memref<32x1024xf32, #tpu.memory_space<vmem>>) dst(%dma_wait3A_924 : memref<32x1024xf32, #tpu.memory_space<hbm>>)
    %dma_wait3A_925 = arith.constant 0 : i32
    %dma_wait3A_926 = arith.constant 0 : i32
    %dma_wait3A_927 = arith.constant 0 : i32
    %dma_wait3A_928 = tpu.memref_slice %arg3[%dma_wait3A_925, %dma_wait3A_926, %dma_wait3A_927] : memref<4x8192x1024xf32, #tpu.memory_space<hbm>> -> memref<1x8192x1024xf32, #tpu.memory_space<hbm>>
    %dma_wait3A_929 = tpu.memref_squeeze %dma_wait3A_928 : memref<1x8192x1024xf32, #tpu.memory_space<hbm>> -> memref<8192x1024xf32, #tpu.memory_space<hbm>>
    %dma_wait3A_930 = arith.constant 0 : i32
    %dma_wait3A_931 = tpu.memref_slice %dma_wait3A_929[%add3A_762, %dma_wait3A_930] : memref<8192x1024xf32, #tpu.memory_space<hbm>> -> memref<32x1024xf32, #tpu.memory_space<hbm>>
    %dma_wait3A_932 = arith.constant 0 : i32
    %dma_wait3A_933 = arith.constant 0 : i32
    %dma_wait3A_934 = tpu.memref_slice %arg3[%dma_wait3A_925, %dma_wait3A_932, %dma_wait3A_933] : memref<4x8192x1024xf32, #tpu.memory_space<hbm>> -> memref<1x8192x1024xf32, #tpu.memory_space<hbm>>
    %dma_wait3A_935 = tpu.memref_squeeze %dma_wait3A_934 : memref<1x8192x1024xf32, #tpu.memory_space<hbm>> -> memref<8192x1024xf32, #tpu.memory_space<hbm>>
    %dma_wait3A_936 = arith.constant 0 : i32
    %dma_wait3A_937 = tpu.memref_slice %dma_wait3A_935[%add3A_762, %dma_wait3A_936] : memref<8192x1024xf32, #tpu.memory_space<hbm>> -> memref<32x1024xf32, #tpu.memory_space<hbm>>
    tpu.wait_dma2 semaphore(%arg8 : memref<!tpu.dma_semaphore, #tpu.memory_space<semaphore_mem>>) src(%arg5 : memref<32x1024xf32, #tpu.memory_space<vmem>>) dst(%dma_wait3A_937 : memref<32x1024xf32, #tpu.memory_space<hbm>>)
    %dma_wait3A_938 = arith.constant 1 : i32
    %dma_wait3A_939 = arith.constant 0 : i32
    %dma_wait3A_940 = arith.constant 0 : i32
    %dma_wait3A_941 = tpu.memref_slice %arg3[%dma_wait3A_938, %dma_wait3A_939, %dma_wait3A_940] : memref<4x8192x1024xf32, #tpu.memory_space<hbm>> -> memref<1x8192x1024xf32, #tpu.memory_space<hbm>>
    %dma_wait3A_942 = tpu.memref_squeeze %dma_wait3A_941 : memref<1x8192x1024xf32, #tpu.memory_space<hbm>> -> memref<8192x1024xf32, #tpu.memory_space<hbm>>
    %dma_wait3A_943 = arith.constant 0 : i32
    %dma_wait3A_944 = tpu.memref_slice %dma_wait3A_942[%add3A_777, %dma_wait3A_943] : memref<8192x1024xf32, #tpu.memory_space<hbm>> -> memref<32x1024xf32, #tpu.memory_space<hbm>>
    %dma_wait3A_945 = arith.constant 0 : i32
    %dma_wait3A_946 = arith.constant 0 : i32
    %dma_wait3A_947 = tpu.memref_slice %arg3[%dma_wait3A_938, %dma_wait3A_945, %dma_wait3A_946] : memref<4x8192x1024xf32, #tpu.memory_space<hbm>> -> memref<1x8192x1024xf32, #tpu.memory_space<hbm>>
    %dma_wait3A_948 = tpu.memref_squeeze %dma_wait3A_947 : memref<1x8192x1024xf32, #tpu.memory_space<hbm>> -> memref<8192x1024xf32, #tpu.memory_space<hbm>>
    %dma_wait3A_949 = arith.constant 0 : i32
    %dma_wait3A_950 = tpu.memref_slice %dma_wait3A_948[%add3A_777, %dma_wait3A_949] : memref<8192x1024xf32, #tpu.memory_space<hbm>> -> memref<32x1024xf32, #tpu.memory_space<hbm>>
    tpu.wait_dma2 semaphore(%arg8 : memref<!tpu.dma_semaphore, #tpu.memory_space<semaphore_mem>>) src(%arg5 : memref<32x1024xf32, #tpu.memory_space<vmem>>) dst(%dma_wait3A_950 : memref<32x1024xf32, #tpu.memory_space<hbm>>)
    %dma_wait3A_951 = arith.constant 2 : i32
    %dma_wait3A_952 = arith.constant 0 : i32
    %dma_wait3A_953 = arith.constant 0 : i32
    %dma_wait3A_954 = tpu.memref_slice %arg3[%dma_wait3A_951, %dma_wait3A_952, %dma_wait3A_953] : memref<4x8192x1024xf32, #tpu.memory_space<hbm>> -> memref<1x8192x1024xf32, #tpu.memory_space<hbm>>
    %dma_wait3A_955 = tpu.memref_squeeze %dma_wait3A_954 : memref<1x8192x1024xf32, #tpu.memory_space<hbm>> -> memref<8192x1024xf32, #tpu.memory_space<hbm>>
    %dma_wait3A_956 = arith.constant 0 : i32
    %dma_wait3A_957 = tpu.memref_slice %dma_wait3A_955[%add3A_792, %dma_wait3A_956] : memref<8192x1024xf32, #tpu.memory_space<hbm>> -> memref<32x1024xf32, #tpu.memory_space<hbm>>
    %dma_wait3A_958 = arith.constant 0 : i32
    %dma_wait3A_959 = arith.constant 0 : i32
    %dma_wait3A_960 = tpu.memref_slice %arg3[%dma_wait3A_951, %dma_wait3A_958, %dma_wait3A_959] : memref<4x8192x1024xf32, #tpu.memory_space<hbm>> -> memref<1x8192x1024xf32, #tpu.memory_space<hbm>>
    %dma_wait3A_961 = tpu.memref_squeeze %dma_wait3A_960 : memref<1x8192x1024xf32, #tpu.memory_space<hbm>> -> memref<8192x1024xf32, #tpu.memory_space<hbm>>
    %dma_wait3A_962 = arith.constant 0 : i32
    %dma_wait3A_963 = tpu.memref_slice %dma_wait3A_961[%add3A_792, %dma_wait3A_962] : memref<8192x1024xf32, #tpu.memory_space<hbm>> -> memref<32x1024xf32, #tpu.memory_space<hbm>>
    tpu.wait_dma2 semaphore(%arg8 : memref<!tpu.dma_semaphore, #tpu.memory_space<semaphore_mem>>) src(%arg5 : memref<32x1024xf32, #tpu.memory_space<vmem>>) dst(%dma_wait3A_963 : memref<32x1024xf32, #tpu.memory_space<hbm>>)
    %dma_wait3A_964 = arith.constant 3 : i32
    %dma_wait3A_965 = arith.constant 0 : i32
    %dma_wait3A_966 = arith.constant 0 : i32
    %dma_wait3A_967 = tpu.memref_slice %arg3[%dma_wait3A_964, %dma_wait3A_965, %dma_wait3A_966] : memref<4x8192x1024xf32, #tpu.memory_space<hbm>> -> memref<1x8192x1024xf32, #tpu.memory_space<hbm>>
    %dma_wait3A_968 = tpu.memref_squeeze %dma_wait3A_967 : memref<1x8192x1024xf32, #tpu.memory_space<hbm>> -> memref<8192x1024xf32, #tpu.memory_space<hbm>>
    %dma_wait3A_969 = arith.constant 0 : i32
    %dma_wait3A_970 = tpu.memref_slice %dma_wait3A_968[%add3A_807, %dma_wait3A_969] : memref<8192x1024xf32, #tpu.memory_space<hbm>> -> memref<32x1024xf32, #tpu.memory_space<hbm>>
    %dma_wait3A_971 = arith.constant 0 : i32
    %dma_wait3A_972 = arith.constant 0 : i32
    %dma_wait3A_973 = tpu.memref_slice %arg3[%dma_wait3A_964, %dma_wait3A_971, %dma_wait3A_972] : memref<4x8192x1024xf32, #tpu.memory_space<hbm>> -> memref<1x8192x1024xf32, #tpu.memory_space<hbm>>
    %dma_wait3A_974 = tpu.memref_squeeze %dma_wait3A_973 : memref<1x8192x1024xf32, #tpu.memory_space<hbm>> -> memref<8192x1024xf32, #tpu.memory_space<hbm>>
    %dma_wait3A_975 = arith.constant 0 : i32
    %dma_wait3A_976 = tpu.memref_slice %dma_wait3A_974[%add3A_807, %dma_wait3A_975] : memref<8192x1024xf32, #tpu.memory_space<hbm>> -> memref<32x1024xf32, #tpu.memory_space<hbm>>
    tpu.wait_dma2 semaphore(%arg8 : memref<!tpu.dma_semaphore, #tpu.memory_space<semaphore_mem>>) src(%arg5 : memref<32x1024xf32, #tpu.memory_space<vmem>>) dst(%dma_wait3A_976 : memref<32x1024xf32, #tpu.memory_space<hbm>>)
    return
  }
}

</mosaic_0001>

<sc_bundles>
// kernel: kernel.3.cloned.1.call-start
scs
__scs_entry_jumppad:
0x0: {  	(pc) =	sbr.rel $0x88, $3  }
0x1: {  	(tag) =	ssettag $0x0;
	lr =	simm.s32 $0x1  }
0x2: {  	[smem:$0x3FA0] =	sst lr;
	_ =	strace $0xD0000000  }
0x3: {  	_ = 	snop  }
0x4: {  	_ = 	snop  }
0x5: {  	_ = 	snop  }
0x6: {  	_ = 	snop  }
0x7: {  	_ = 	snop  }
__scs_overlays_trampoline_lowered:
0x8: {  	[smem:$0x3FAF] =	sst s0  }
0x9: {  	[smem:$0x3FB0] =	sst s1  }
0xa: {  	[smem:$0x3FB1] =	sst s2  }
0xb: {  	[smem:$0x3FB2] =	sst s3  }
0xc: {  	[smem:$0x3FB3] =	sst s4  }
0xd: {  	[smem:$0x3FB4] =	sst s5  }
0xe: {  	[smem:$0x3FB5] =	sst s6  }
0xf: {  	[smem:$0x3FB6] =	sst s7  }
0x10: {  	[smem:$0x3FB7] =	sst s8  }
0x11: {  	[smem:$0x3FB8] =	sst s9;
	s0 =	simm.s32 @!p0 $0x0  }
0x12: {  	s1 =	sld [smem:$0x3F9E];
	s0 =	simm.s32 @p0 $0x1  }
0x13: {  	[smem:$0x3FB9] =	sst s0;
	s0 =	simm.s32 @!p1 $0x0  }
0x14: {  	s2 =	sld [smem:$0x3F9D];
	s0 =	simm.s32 @p1 $0x1  }
0x15: {  	[smem:$0x3FBA] =	sst s0;
	s0 =	simm.s32 @!p2 $0x0  }
0x16: {  	s3 =	sld [smem:$0x3FDB];
	s0 =	simm.s32 @p2 $0x1  }
0x17: {  	s4 =	simm.s32 $0x1BF5;
	[smem:$0x3FBC] =	sst s0  }
0x18: {  	s0 =	sld [smem:$0x3F9F];
	_ =	swait.ge [sflag:s4], $0x0  }
0x19: {  	s7 =	sld [smem:$0x3FA0]  }
0x1a: {  	s8 =	sadd.s32 $0xFFFFE003, lr  }
0x1b: {  	s9 =	sadd.s32 $0xFFFFFEF7, lr;
	s5 =	simm.s32 $0xFFFFFFFF;
	p2 =	slt.u32 s8, $0xFFFFF086  }
0x1c: {  	p1 =	slt.u32 s9, $0xF7A;
	s5 =	simm.s32 @!p2 $0x0  }
0x1d: {  	s5 =	simm.s32 @p1 $0x1;
	p0 =	seq.s32 s7, s2  }
0x1e: {  	s7 =	smul.u32 @!p0 $0xF7A, s2;
	p2 =	seq.s32 @!p0 s5, $0x0  }
0x1f: {  	s9 =	smul.u32 $0xF7A, s1;
	s8 =	simm.s32 @!p0 $0x1BF5;
	p2 =	por !p2, p0  }
0x20: {  	[sflag:s8] =	ssyncset.s32 @!p0 $0xFFFFF086;
	s6 =	sadd.s32 @!p0 s3, s7;
	s7 =	simm.s32 @!p0 $0x108  }
0x21: {  	s3 =	sadd.s32 s3, s9;
	s6 =	sadd.s32 @!p0 $0x88, s6;
	s7 =	simm.s32 @p2 $0x1082  }
0x22: {  	[simem:s7], [sflag:s8] =	dma.local @!p0 [hbm:s6], $0xF7A  }
0x23: {  	s9 =	sor.u32 $0xD0000000, s2;
	s6 =	simm.s32 $0x108;
	_ =	swait.ge @!p0 [sflag:s8], $0x0  }
0x24: {  	s3 =	sadd.s32 $0x88, s3;
	s6 =	simm.s32 @!p1 $0x1082;
	[sflag:s4] =	ssyncset.s32 $0xFFFFF086  }
0x25: {  	[simem:s6], [sflag:s4] =	dma.local [hbm:s3], $0xF7A  }
0x26: {  	[smem:$0x3FA0] =	sst s1;
	(tag) =	ssettag s2;
	_ =	strace s9  }
0x27: {  	s1 =	sld [smem:$0x3FB0]  }
0x28: {  	s2 =	sld [smem:$0x3FB1]  }
0x29: {  	s4 =	sld [smem:$0x3FB3]  }
0x2a: {  	p0 =	seq.s32 s5, $0x0;
	s5 =	sld [smem:$0x3FB4]  }
0x2b: {  	s6 =	sld [smem:$0x3FB5]  }
0x2c: {  	s7 =	sld [smem:$0x3FB6]  }
0x2d: {  	s3 =	simm.s32 $0x108;
	s8 =	sld [smem:$0x3FB7]  }
0x2e: {  	s3 =	simm.s32 @!p0 $0x1082;
	s9 =	sld [smem:$0x3FB8]  }
0x2f: {  	lr =	sadd.s32 s0, s3;
	s0 =	sld [smem:$0x3FAF]  }
0x30: {  	s3 =	sld [smem:$0x3FB2]  }
0x31: {  	[smem:$0x3FBB] =	sst s10  }
0x32: {  	s10 =	sld [smem:$0x3FB9];
	_ =	sdelay $0x3  }
0x33: {  	p0 =	seq.s32 s10, $0x1;
	s10 =	sld [smem:$0x3FBB];
	_ =	sdelay $0x3  }
0x34: {  	[smem:$0x3FBB] =	sst s10  }
0x35: {  	s10 =	sld [smem:$0x3FBA];
	_ =	sdelay $0x3  }
0x36: {  	p1 =	seq.s32 s10, $0x1;
	s10 =	sld [smem:$0x3FBB];
	_ =	sdelay $0x3  }
0x37: {  	[smem:$0x3FBB] =	sst s10  }
0x38: {  	s10 =	sld [smem:$0x3FBC]  }
0x39: {  	_ = 	snop;
	(pc) =	sbr.ind lr, $3  }
0x3a: {  	_ = 	snop  }
0x3b: {  	_ = 	snop  }
0x3c: {  	p2 =	seq.s32 s10, $0x1;
	s10 =	sld [smem:$0x3FBB]  }
0x3d: {  	_ =	shalt  }
0x3e: {  	_ =	shalt  }
0x3f: {  	_ =	shalt  }
0x40: {  	_ =	shalt  }
0x41: {  	_ =	shalt  }
0x42: {  	_ =	shalt  }
0x43: {  	_ =	shalt  }
0x44: {  	_ =	shalt  }
0x45: {  	_ =	shalt  }
0x46: {  	_ =	shalt  }
0x47: {  	_ =	shalt  }
0x48: {  	_ =	shalt  }
0x49: {  	_ =	shalt  }
0x4a: {  	_ =	shalt  }
0x4b: {  	_ =	shalt  }
0x4c: {  	_ =	shalt  }
0x4d: {  	_ =	shalt  }
0x4e: {  	_ =	shalt  }
0x4f: {  	_ =	shalt  }
0x50: {  	_ =	shalt  }
0x51: {  	_ =	shalt  }
0x52: {  	_ =	shalt  }
0x53: {  	_ =	shalt  }
0x54: {  	_ =	shalt  }
0x55: {  	_ =	shalt  }
0x56: {  	_ =	shalt  }
0x57: {  	_ =	shalt  }
0x58: {  	_ =	shalt  }
0x59: {  	_ =	shalt  }
0x5a: {  	_ =	shalt  }
0x5b: {  	_ =	shalt  }
0x5c: {  	_ =	shalt  }
0x5d: {  	_ =	shalt  }
0x5e: {  	_ =	shalt  }
0x5f: {  	_ =	shalt  }
0x60: {  	_ =	shalt  }
0x61: {  	_ =	shalt  }
0x62: {  	_ =	shalt  }
0x63: {  	_ =	shalt  }
0x64: {  	_ =	shalt  }
0x65: {  	_ =	shalt  }
0x66: {  	_ =	shalt  }
0x67: {  	_ =	shalt  }
0x68: {  	_ =	shalt  }
0x69: {  	_ =	shalt  }
0x6a: {  	_ =	shalt  }
0x6b: {  	_ =	shalt  }
0x6c: {  	_ =	shalt  }
0x6d: {  	_ =	shalt  }
0x6e: {  	_ =	shalt  }
0x6f: {  	_ =	shalt  }
0x70: {  	_ =	shalt  }
0x71: {  	_ =	shalt  }
0x72: {  	_ =	shalt  }
0x73: {  	_ =	shalt  }
0x74: {  	_ =	shalt  }
0x75: {  	_ =	shalt  }
0x76: {  	_ =	shalt  }
0x77: {  	_ =	shalt  }
0x78: {  	_ =	shalt  }
0x79: {  	_ =	shalt  }
0x7a: {  	_ =	shalt  }
0x7b: {  	_ =	shalt  }
0x7c: {  	_ =	shalt  }
0x7d: {  	_ =	shalt  }
0x7e: {  	_ =	shalt  }
0x7f: {  	_ =	shalt  }
0x80: {  	_ =	shalt  }
0x81: {  	_ =	shalt  }
0x82: {  	_ =	shalt  }
0x83: {  	_ =	shalt  }
0x84: {  	_ =	shalt  }
0x85: {  	_ =	shalt  }
0x86: {  	_ =	shalt  }
0x87: {  	_ =	shalt  }
.Lfunc_end0:
.L_simem_size_0:
called_computation_lowered:
.L_overlay_start_0:
0x88: {  	s2 =	sld [smem:$0x3FD9]  }
0x89: {  	s3 =	sld [smem:$0x3FFE];
	_ =	sdelay $0x1  }
0x8a: {  	s1 =	srdreg.scid  }
0x8b: {  	s0 =	sand.u32 $0x1, s1  }
0x8c: {  	s18 =	sshll.u32 s0, $0xA;
	s2 =	sadd.s32 s3, s2  }
0x8d: {  	s2 =	sadd.s32 s2, s18  }
0x8e: {  	[smem:$0x3FC7] =	sst s2  }
0x8f: {  	_ = 	snop  }
0x90: {  	s2 =	sld [smem:$0x3FC9]  }
0x91: {  	s19 =	sld [smem:$0x3FD0];
	(tm) =	ssettm $0x1  }
0x92: {  	s4 =	sld [smem:$0x3FFB];
	_ =	sdelay $0x3  }
0x93: {  	_ =	strace s4  }
0x94: {  	s4 =	sld [smem:$0x3FFC];
	_ =	sdelay $0x3  }
0x95: {  	_ =	strace s4  }
0x96: {  	s4 =	sld [smem:$0x3FFD];
	_ =	sdelay $0x3  }
0x97: {  	_ =	strace s4  }
0x98: {  	_ =	strace $0x8FFFFFFF  }
0x99: {  	s20 =	sld [smem:$0x3FDB];
	_ =	sdelay $0x1  }
0x9a: {  	s5 =	simm.s32 $_scs_section_size  }
0x9b: {  	s6 =	simm.s32 $_size__tile_overlayer_lowered;
	s7 =	simm.s32 $_tile_overlayer_lowered  }
0x9c: {  	s23 =	simm.s32 $0x1BFF;
	s22 =	sshll.u32 s7, $0x1;
	s4 =	sadd.s32 s5, s20  }
0x9d: {  	s8 =	simm.s32 $0x0;
	s21 =	sshll.u32 s6, $0x1;
	s6 =	sadd.s32 s22, s4  }
0x9e: {  	[timem:s8], [sflag:s23] =	dma.local [hbm:s6], s21  }
0x9f: {  	_ =	swait.ge [sflag:s23], s21  }
0xa0: {  	s5 =	ssub.s32 $0x0, s21;
	[sflag:s23] =	ssyncset.done $0x0  }
0xa1: {  	[sflag:s23] =	ssyncadd.s32 s5;
	_ =	sdelay $0x1  }
0xa2: {  	s24 =	simm.s32 $0x1B8B  }
0xa3: {  	_ =	swait.ge [sflag:s24], $0x1  }
0xa4: {  	[sflag:s24] =	ssyncset.done $0x0  }
0xa5: {  	s25 =	simm.s32 $0x1B8E;
	[sflag:s24] =	ssyncadd.s32 $0xFFFFFFFF  }
0xa6: {  	s26 =	simm.s32 $execute0_lowered;
	[smem:$0x3FD2] =	sst s25  }
0xa7: {  	s5 =	sshll.u32 s26, $0x1;
	_ =	strace $0x80000046;
	[dreg:$0x1] =	wrdreg $0xFFFFFFFF  }
0xa8: {  	s28 =	simm.s32 $_size_execute0_lowered;
	s4 =	sadd.s32 s4, s5;
	[dreg:$0x0] =	wrdreg $0x0  }
0xa9: {  	s5 =	sshll.u32 s28, $0x1;
	[dreg:$0x2] =	wrdreg s4  }
0xaa: {  	[dreg:$0x3] =	wrdreg s5  }
0xab: {  	[dreg:$0x4] =	wrdreg $0xC0  }
0xac: {  	_ =	task [dreg:s8], $0x5FFFF  }
0xad: {  	[dreg:$0x1] =	wrdreg $0xFFFFFFFF  }
0xae: {  	[dreg:$0x0] =	wrdreg $0x60  }
0xaf: {  	[dreg:$0x2] =	wrdreg s2  }
0xb0: {  	[dreg:$0x3] =	wrdreg s19  }
0xb1: {  	[dreg:$0x4] =	wrdreg $0x9  }
0xb2: {  	_ =	task.clear_ibuf [dreg:s8], $0x5FFFF;
	_ =	strace $0x90000046  }
0xb3: {  	s29 =	simm.s32 $0x9;
	_ =	strace $0x80000048  }
0xb4: {  	_ =	swait.ge [sflag:s29], $0x1  }
0xb5: {  	[sflag:s29] =	ssyncadd.s32 $0xFFFFFFFF  }
0xb6: {  	_ =	strace $0x90000048  }
0xb7: {  	_ =	sfence  }
0xb8: {  	s30 =	sld [smem:$0x0];
	_ =	sdelay $0x2  }
0xb9: {  	s31 =	sshll.u32 s1, $0xD;
	s1 =	sshrl.u32 s1, $0x2  }
0xba: {  	s3 =	sand.u32 $0x4000, s31;
	s1 =	sadd.s32 s1, s30  }
0xbb: {  	s0 =	sor.u32 s3, s0;
	s1 =	sshll.u32 s1, $0x11  }
0xbc: {  	s0 =	sor.u32 s1, s0  }
0xbd: {  	s0 =	sadd.s32 $0x8F2B, s0  }
0xbe: {  	[sflag:s0] =	ssyncadd.remote.s32 $0x1  }
0xbf: {  	_ =	sfence.sel $0xFFFF  }
0xc0: {  	[dreg:$0x0] =	wrdreg $0xFFFFFFFF;
	(pc) =	sbr.abs _section_cstart, $3  }
0xc1: {  	[dreg:$0x1] =	wrdreg $0xFFFFFFFF  }
0xc2: {  	_ =	task.clear_ibuf [dreg:s8], $0x2FFFF;
	_ =	strace $0x9FFFFFFF  }
0xc3: {  	(tm) =	ssettm $0x7FFFFFFF  }
tec
execute0_lowered:
.L_overlay_start_1:
0x0: {  	(tag) =	ssettag $0x1  }
0x1: {  	s0 =	rddreg [dreg:$0x0]  }
0x2: {  	s1 =	rddreg [dreg:$0x1]  }
0x3: {  	s2 =	srdreg.scid;
	s6 =	rddreg [dreg:$0x2]  }
0x4: {  	s7 =	stileid.u32;
	s9 =	simm.s32 $0x8000;
	s3 =	sand.u32 $0x1, s2  }
0x5: {  	s2 =	simm.s32 $0x0;
	s5 =	sshll.u32 s7, $0xF;
	s4 =	sshll.u32 s3, $0x13  }
0x6: {  	s10 =	simm.s32 $0x1;
	[smem:$0x7FF] =	sst s2;
	s20 =	sor.u32 s5, s4  }
0x7: {  	p0 =	por $0x0, $0x0;
	_ =	strace $0x80000047;
	s4 =	sadd.s32 s0, s20  }
0x8: {  	s23 =	sor.u32 $0x1000, s20;
	s13 =	sadd.s32 s1, s20;
	[dreg:$0x3] =	wrdreg s4  }
0x9: {  	s26 =	sor.u32 $0x2000, s20;
	s12 =	sadd.s32 s0, s23;
	[dreg:$0x5] =	wrdreg s13  }
0xa: {  	s3 =	ssub.s32 $0x2, s3;
	s14 =	sadd.s32 s0, s26;
	[dreg:$0x4] =	wrdreg s12  }
0xb: {  	s28 =	sshrl.u32 s3, $0x1;
	s15 =	sadd.s32 s1, s23;
	[dreg:$0x6] =	wrdreg s14  }
0xc: {  	s11 =	sor.u32 $0x5000, s20;
	s17 =	sadd.s32 s1, s26;
	[dreg:$0x7] =	wrdreg s15  }
0xd: {  	s5 =	sadd.s32 $0x200000, s1;
	s21 =	sadd.s32 s0, s11;
	[dreg:$0x9] =	wrdreg s17  }
0xe: {  	s3 =	ssub.s32 s3, s28;
	s25 =	sadd.s32 s1, s11;
	[dreg:$0xc] =	wrdreg s21  }
0xf: {  	s4 =	sadd.s32 $0x300000, s1;
	s14 =	sor.u32 $0x3000, s20;
	[dreg:$0xf] =	wrdreg s25  }
0x10: {  	s12 =	sor.u32 $0x4000, s20;
	s17 =	rddreg [dreg:$0x3];
	s16 =	sadd.s32 s0, s14  }
0x11: {  	s31 =	smax.u32 s3, $0x1;
	s18 =	sadd.s32 s0, s12;
	[dreg:$0x8] =	wrdreg s16  }
0x12: {  	s15 =	sor.u32 $0x6000, s20;
	s19 =	sadd.s32 s1, s14;
	[dreg:$0xa] =	wrdreg s18  }
0x13: {  	p1 =	sne.s32 s31, $0x1;
	s22 =	sadd.s32 s1, s12;
	[dreg:$0xb] =	wrdreg s19  }
.Ltmp0:
0x14: {  	s24 =	sadd.s32 s0, s15;
	[dreg:$0xd] =	wrdreg s22;
	(pc) =	sbr.rel @!p1 .LBB2_5-.Ltmp0, $4  }
0x15: {  	s29 =	sadd.s32 s1, s15;
	[dreg:$0xe] =	wrdreg s24;
	s18 =	sor.u32 $0x7000, s20  }
0x16: {  	s13 =	simm.s32 $0x10000;
	[dreg:$0x11] =	wrdreg s29;
	s0 =	sadd.s32 s0, s18  }
0x17: {  	s3 =	simm.s32 $0x2;
	s30 =	sadd.s32 s1, s18;
	[dreg:$0x10] =	wrdreg s0  }
0x18: {  	s8 =	sadd.s32 $0xFFFFFFFF, s31;
	s16 =	sadd.s32 $0x100000, s1;
	[dreg:$0x12] =	wrdreg s30  }
0x19: {  	[tilespmem:s2], [sflag:$0x1] =	stream.linear.gather [hbm4b:s17+s2], $0x8000, $0x38;
	[tilespmem:$0x18000] =	vst v63  }
0x1a: {  	s0 =	rddreg [dreg:$0x4]  }
0x1b: {  	[tilespmem:s9], [sflag:$0x1] =	stream.linear.gather [hbm4b:s0+s2], $0x8000, $0x38;
	[tilespmem:$0x18000] =	vst v63  }
0x1c: {  	_ =	swait.ge [sflag:s10], $0x8000  }
0x1d: {  	[sflag:s10] =	ssyncset.done $0x0  }
0x1e: {  	s17 =	rddreg [dreg:$0x5];
	[sflag:s10] =	ssyncadd.s32 $0xFFFF8000  }
0x1f: {  	[hbm4b:s17+s2] =	stream.linear.scatter [tilespmem:s2], [sflag:$0x2], $0x8000, $0x38;
	[tilespmem:$0x18000] =	vst v63  }
0x20: {  	s19 =	sadd.s32 s20, s16  }
0x21: {  	[hbm4b:s19+s2] =	stream.linear.scatter [tilespmem:s2], [sflag:$0x2], $0x8000, $0x38;
	[tilespmem:$0x18000] =	vst v63  }
0x22: {  	s21 =	sadd.s32 s20, s5;
	[dreg:$0x13] =	wrdreg s19  }
0x23: {  	[hbm4b:s21+s2] =	stream.linear.scatter [tilespmem:s2], [sflag:$0x2], $0x8000, $0x38;
	[tilespmem:$0x18000] =	vst v63  }
0x24: {  	[dreg:$0x1e] =	wrdreg s20;
	s20 =	sadd.s32 s20, s4  }
0x25: {  	[hbm4b:s20+s2] =	stream.linear.scatter [tilespmem:s2], [sflag:$0x2], $0x8000, $0x38;
	[tilespmem:$0x18000] =	vst v63  }
0x26: {  	s22 =	rddreg [dreg:$0x6]  }
0x27: {  	[tilespmem:s13], [sflag:$0x1] =	stream.linear.gather [hbm4b:s22+s2], $0x8000, $0x38;
	[tilespmem:$0x18000] =	vst v63  }
0x28: {  	_ =	swait.ge [sflag:s10], $0x8000  }
0x29: {  	[sflag:s10] =	ssyncset.done $0x0  }
0x2a: {  	s24 =	rddreg [dreg:$0x7];
	[sflag:s10] =	ssyncadd.s32 $0xFFFF8000  }
0x2b: {  	[hbm4b:s24+s2] =	stream.linear.scatter [tilespmem:s9], [sflag:$0x2], $0x8000, $0x38;
	[tilespmem:$0x18000] =	vst v63  }
0x2c: {  	s19 =	smov.u32 s21;
	s21 =	sadd.s32 s23, s16  }
0x2d: {  	[hbm4b:s21+s2] =	stream.linear.scatter [tilespmem:s9], [sflag:$0x2], $0x8000, $0x38;
	[tilespmem:$0x18000] =	vst v63  }
0x2e: {  	s22 =	sadd.s32 s23, s5  }
0x2f: {  	[hbm4b:s22+s2] =	stream.linear.scatter [tilespmem:s9], [sflag:$0x2], $0x8000, $0x38;
	[tilespmem:$0x18000] =	vst v63  }
0x30: {  	[dreg:$0x1d] =	wrdreg s23;
	s23 =	sadd.s32 s23, s4  }
0x31: {  	[hbm4b:s23+s2] =	stream.linear.scatter [tilespmem:s9], [sflag:$0x2], $0x8000, $0x38;
	[tilespmem:$0x18000] =	vst v63  }
0x32: {  	_ =	swait.ge [sflag:s3], $0x8000  }
0x33: {  	[sflag:s3] =	ssyncset.done $0x0  }
0x34: {  	[sflag:s3] =	ssyncadd.s32 $0xFFFF8000  }
0x35: {  	_ =	swait.ge [sflag:s3], $0x8000  }
0x36: {  	[sflag:s3] =	ssyncset.done $0x0  }
0x37: {  	[sflag:s3] =	ssyncadd.s32 $0xFFFF8000  }
0x38: {  	_ =	swait.ge [sflag:s3], $0x8000  }
0x39: {  	[sflag:s3] =	ssyncset.done $0x0  }
0x3a: {  	[sflag:s3] =	ssyncadd.s32 $0xFFFF8000  }
0x3b: {  	_ =	swait.ge [sflag:s3], $0x8000  }
0x3c: {  	[sflag:s3] =	ssyncset.done $0x0  }
0x3d: {  	s25 =	rddreg [dreg:$0x8];
	[sflag:s3] =	ssyncadd.s32 $0xFFFF8000  }
0x3e: {  	[tilespmem:s2], [sflag:$0x1] =	stream.linear.gather [hbm4b:s25+s2], $0x8000, $0x38;
	[tilespmem:$0x18000] =	vst v63  }
0x3f: {  	_ =	swait.ge [sflag:s10], $0x8000  }
0x40: {  	[sflag:s10] =	ssyncset.done $0x0  }
0x41: {  	s1 =	rddreg [dreg:$0x9];
	[sflag:s10] =	ssyncadd.s32 $0xFFFF8000  }
0x42: {  	[hbm4b:s1+s2] =	stream.linear.scatter [tilespmem:s13], [sflag:$0x2], $0x8000, $0x38;
	[tilespmem:$0x18000] =	vst v63  }
0x43: {  	s24 =	sadd.s32 s26, s16  }
0x44: {  	[hbm4b:s24+s2] =	stream.linear.scatter [tilespmem:s13], [sflag:$0x2], $0x8000, $0x38;
	[tilespmem:$0x18000] =	vst v63  }
0x45: {  	s25 =	sadd.s32 s26, s5  }
0x46: {  	[hbm4b:s25+s2] =	stream.linear.scatter [tilespmem:s13], [sflag:$0x2], $0x8000, $0x38;
	[tilespmem:$0x18000] =	vst v63  }
0x47: {  	[dreg:$0x1c] =	wrdreg s26;
	s26 =	sadd.s32 s26, s4  }
0x48: {  	[hbm4b:s26+s2] =	stream.linear.scatter [tilespmem:s13], [sflag:$0x2], $0x8000, $0x38;
	[tilespmem:$0x18000] =	vst v63  }
0x49: {  	_ =	swait.ge [sflag:s3], $0x8000  }
0x4a: {  	[sflag:s3] =	ssyncset.done $0x0  }
0x4b: {  	[sflag:s3] =	ssyncadd.s32 $0xFFFF8000  }
0x4c: {  	_ =	swait.ge [sflag:s3], $0x8000  }
0x4d: {  	[sflag:s3] =	ssyncset.done $0x0  }
0x4e: {  	[sflag:s3] =	ssyncadd.s32 $0xFFFF8000  }
0x4f: {  	_ =	swait.ge [sflag:s3], $0x8000  }
0x50: {  	[sflag:s3] =	ssyncset.done $0x0  }
0x51: {  	[sflag:s3] =	ssyncadd.s32 $0xFFFF8000  }
0x52: {  	_ =	swait.ge [sflag:s3], $0x8000  }
0x53: {  	[sflag:s3] =	ssyncset.done $0x0  }
0x54: {  	s6 =	rddreg [dreg:$0xa];
	[sflag:s3] =	ssyncadd.s32 $0xFFFF8000  }
0x55: {  	[tilespmem:s9], [sflag:$0x1] =	stream.linear.gather [hbm4b:s6+s2], $0x8000, $0x38;
	[tilespmem:$0x18000] =	vst v63  }
0x56: {  	_ =	swait.ge [sflag:s10], $0x8000  }
0x57: {  	[sflag:s10] =	ssyncset.done $0x0  }
0x58: {  	s7 =	rddreg [dreg:$0xb];
	[sflag:s10] =	ssyncadd.s32 $0xFFFF8000  }
0x59: {  	[hbm4b:s7+s2] =	stream.linear.scatter [tilespmem:s2], [sflag:$0x2], $0x8000, $0x38;
	[tilespmem:$0x18000] =	vst v63  }
0x5a: {  	s28 =	sadd.s32 s14, s16  }
0x5b: {  	[hbm4b:s28+s2] =	stream.linear.scatter [tilespmem:s2], [sflag:$0x2], $0x8000, $0x38;
	[tilespmem:$0x18000] =	vst v63  }
0x5c: {  	s29 =	sadd.s32 s14, s5  }
0x5d: {  	[hbm4b:s29+s2] =	stream.linear.scatter [tilespmem:s2], [sflag:$0x2], $0x8000, $0x38;
	[tilespmem:$0x18000] =	vst v63  }
0x5e: {  	s30 =	sadd.s32 s14, s4;
	[dreg:$0x1b] =	wrdreg s14  }
0x5f: {  	[hbm4b:s30+s2] =	stream.linear.scatter [tilespmem:s2], [sflag:$0x2], $0x8000, $0x38;
	[tilespmem:$0x18000] =	vst v63  }
0x60: {  	_ =	swait.ge [sflag:s3], $0x8000  }
0x61: {  	[sflag:s3] =	ssyncset.done $0x0  }
0x62: {  	[sflag:s3] =	ssyncadd.s32 $0xFFFF8000  }
0x63: {  	_ =	swait.ge [sflag:s3], $0x8000  }
0x64: {  	[sflag:s3] =	ssyncset.done $0x0  }
0x65: {  	[sflag:s3] =	ssyncadd.s32 $0xFFFF8000  }
0x66: {  	_ =	swait.ge [sflag:s3], $0x8000  }
0x67: {  	[sflag:s3] =	ssyncset.done $0x0  }
0x68: {  	[sflag:s3] =	ssyncadd.s32 $0xFFFF8000  }
0x69: {  	_ =	swait.ge [sflag:s3], $0x8000  }
0x6a: {  	[sflag:s3] =	ssyncset.done $0x0  }
0x6b: {  	s17 =	rddreg [dreg:$0xc];
	[sflag:s3] =	ssyncadd.s32 $0xFFFF8000  }
0x6c: {  	[tilespmem:s13], [sflag:$0x1] =	stream.linear.gather [hbm4b:s17+s2], $0x8000, $0x38;
	[tilespmem:$0x18000] =	vst v63  }
0x6d: {  	_ =	swait.ge [sflag:s10], $0x8000  }
0x6e: {  	[sflag:s10] =	ssyncset.done $0x0  }
0x6f: {  	s1 =	rddreg [dreg:$0xd];
	[sflag:s10] =	ssyncadd.s32 $0xFFFF8000  }
0x70: {  	[hbm4b:s1+s2] =	stream.linear.scatter [tilespmem:s9], [sflag:$0x2], $0x8000, $0x38;
	[tilespmem:$0x18000] =	vst v63  }
0x71: {  	s31 =	sadd.s32 s12, s16  }
0x72: {  	[hbm4b:s31+s2] =	stream.linear.scatter [tilespmem:s9], [sflag:$0x2], $0x8000, $0x38;
	[tilespmem:$0x18000] =	vst v63  }
0x73: {  	s0 =	sadd.s32 s12, s5  }
0x74: {  	[hbm4b:s0+s2] =	stream.linear.scatter [tilespmem:s9], [sflag:$0x2], $0x8000, $0x38;
	[tilespmem:$0x18000] =	vst v63  }
0x75: {  	[dreg:$0x1a] =	wrdreg s12;
	s1 =	sadd.s32 s12, s4  }
0x76: {  	[hbm4b:s1+s2] =	stream.linear.scatter [tilespmem:s9], [sflag:$0x2], $0x8000, $0x38;
	[tilespmem:$0x18000] =	vst v63  }
0x77: {  	_ =	swait.ge [sflag:s3], $0x8000  }
0x78: {  	[sflag:s3] =	ssyncset.done $0x0  }
0x79: {  	[sflag:s3] =	ssyncadd.s32 $0xFFFF8000  }
0x7a: {  	_ =	swait.ge [sflag:s3], $0x8000  }
0x7b: {  	[sflag:s3] =	ssyncset.done $0x0  }
0x7c: {  	[sflag:s3] =	ssyncadd.s32 $0xFFFF8000  }
0x7d: {  	_ =	swait.ge [sflag:s3], $0x8000  }
0x7e: {  	[sflag:s3] =	ssyncset.done $0x0  }
0x7f: {  	[sflag:s3] =	ssyncadd.s32 $0xFFFF8000  }
0x80: {  	_ =	swait.ge [sflag:s3], $0x8000  }
0x81: {  	[sflag:s3] =	ssyncset.done $0x0  }
0x82: {  	s6 =	rddreg [dreg:$0xe];
	[sflag:s3] =	ssyncadd.s32 $0xFFFF8000  }
0x83: {  	[tilespmem:s2], [sflag:$0x1] =	stream.linear.gather [hbm4b:s6+s2], $0x8000, $0x38;
	[tilespmem:$0x18000] =	vst v63  }
0x84: {  	_ =	swait.ge [sflag:s10], $0x8000  }
0x85: {  	[sflag:s10] =	ssyncset.done $0x0  }
0x86: {  	s12 =	rddreg [dreg:$0xf];
	[sflag:s10] =	ssyncadd.s32 $0xFFFF8000  }
0x87: {  	[hbm4b:s12+s2] =	stream.linear.scatter [tilespmem:s13], [sflag:$0x2], $0x8000, $0x38;
	[tilespmem:$0x18000] =	vst v63  }
0x88: {  	s7 =	smov.u32 s4;
	s4 =	sadd.s32 s11, s16  }
0x89: {  	[hbm4b:s4+s2] =	stream.linear.scatter [tilespmem:s13], [sflag:$0x2], $0x8000, $0x38;
	[tilespmem:$0x18000] =	vst v63  }
0x8a: {  	s17 =	smov.u32 s5;
	s5 =	sadd.s32 s11, s5  }
0x8b: {  	[hbm4b:s5+s2] =	stream.linear.scatter [tilespmem:s13], [sflag:$0x2], $0x8000, $0x38;
	[tilespmem:$0x18000] =	vst v63  }
0x8c: {  	[dreg:$0x19] =	wrdreg s11;
	s11 =	sadd.s32 s11, s7  }
0x8d: {  	[hbm4b:s11+s2] =	stream.linear.scatter [tilespmem:s13], [sflag:$0x2], $0x8000, $0x38;
	[tilespmem:$0x18000] =	vst v63  }
0x8e: {  	_ =	swait.ge [sflag:s3], $0x8000  }
0x8f: {  	[sflag:s3] =	ssyncset.done $0x0  }
0x90: {  	[sflag:s3] =	ssyncadd.s32 $0xFFFF8000  }
0x91: {  	_ =	swait.ge [sflag:s3], $0x8000  }
0x92: {  	[sflag:s3] =	ssyncset.done $0x0  }
0x93: {  	[sflag:s3] =	ssyncadd.s32 $0xFFFF8000  }
0x94: {  	_ =	swait.ge [sflag:s3], $0x8000  }
0x95: {  	[sflag:s3] =	ssyncset.done $0x0  }
0x96: {  	[sflag:s3] =	ssyncadd.s32 $0xFFFF8000  }
0x97: {  	_ =	swait.ge [sflag:s3], $0x8000  }
0x98: {  	[sflag:s3] =	ssyncset.done $0x0  }
0x99: {  	s6 =	rddreg [dreg:$0x10];
	[sflag:s3] =	ssyncadd.s32 $0xFFFF8000  }
0x9a: {  	[tilespmem:s9], [sflag:$0x1] =	stream.linear.gather [hbm4b:s6+s2], $0x8000, $0x38;
	[tilespmem:$0x18000] =	vst v63  }
0x9b: {  	_ =	swait.ge [sflag:s10], $0x8000  }
0x9c: {  	[sflag:s10] =	ssyncset.done $0x0  }
0x9d: {  	s14 =	rddreg [dreg:$0x11];
	[sflag:s10] =	ssyncadd.s32 $0xFFFF8000  }
0x9e: {  	[hbm4b:s14+s2] =	stream.linear.scatter [tilespmem:s2], [sflag:$0x2], $0x8000, $0x38;
	[tilespmem:$0x18000] =	vst v63  }
0x9f: {  	s12 =	sadd.s32 s15, s16  }
0xa0: {  	[hbm4b:s12+s2] =	stream.linear.scatter [tilespmem:s2], [sflag:$0x2], $0x8000, $0x38;
	[tilespmem:$0x18000] =	vst v63  }
0xa1: {  	s14 =	sadd.s32 s15, s17  }
0xa2: {  	[hbm4b:s14+s2] =	stream.linear.scatter [tilespmem:s2], [sflag:$0x2], $0x8000, $0x38;
	[tilespmem:$0x18000] =	vst v63  }
0xa3: {  	[dreg:$0x15] =	wrdreg s15;
	s15 =	sadd.s32 s15, s7  }
0xa4: {  	[hbm4b:s15+s2] =	stream.linear.scatter [tilespmem:s2], [sflag:$0x2], $0x8000, $0x38;
	[tilespmem:$0x18000] =	vst v63  }
0xa5: {  	_ =	swait.ge [sflag:s10], $0x8000  }
0xa6: {  	[dreg:$0x16] =	wrdreg s16;
	[sflag:s10] =	ssyncset.done $0x0  }
0xa7: {  	s6 =	rddreg [dreg:$0x12];
	[sflag:s10] =	ssyncadd.s32 $0xFFFF8000  }
0xa8: {  	[hbm4b:s6+s2] =	stream.linear.scatter [tilespmem:s9], [sflag:$0x2], $0x8000, $0x38;
	[tilespmem:$0x18000] =	vst v63  }
0xa9: {  	s16 =	sadd.s32 s18, s16;
	[dreg:$0x18] =	wrdreg s17  }
0xaa: {  	[hbm4b:s16+s2] =	stream.linear.scatter [tilespmem:s9], [sflag:$0x2], $0x8000, $0x38;
	[tilespmem:$0x18000] =	vst v63  }
0xab: {  	[dreg:$0x14] =	wrdreg s18;
	s6 =	sadd.s32 s18, s17  }
0xac: {  	[hbm4b:s6+s2] =	stream.linear.scatter [tilespmem:s9], [sflag:$0x2], $0x8000, $0x38;
	[tilespmem:$0x18000] =	vst v63  }
0xad: {  	[dreg:$0x17] =	wrdreg s7;
	s7 =	sadd.s32 s18, s7  }
0xae: {  	[hbm4b:s7+s2] =	stream.linear.scatter [tilespmem:s9], [sflag:$0x2], $0x8000, $0x38;
	[tilespmem:$0x18000] =	vst v63  }
0xaf: {  	_ =	swait.ge [sflag:s3], $0x8000  }
0xb0: {  	[sflag:s3] =	ssyncset.done $0x0  }
0xb1: {  	[sflag:s3] =	ssyncadd.s32 $0xFFFF8000  }
0xb2: {  	_ =	swait.ge [sflag:s3], $0x8000  }
0xb3: {  	[sflag:s3] =	ssyncset.done $0x0  }
0xb4: {  	[sflag:s3] =	ssyncadd.s32 $0xFFFF8000  }
0xb5: {  	_ =	swait.ge [sflag:s3], $0x8000  }
0xb6: {  	[sflag:s3] =	ssyncset.done $0x0  }
0xb7: {  	[sflag:s3] =	ssyncadd.s32 $0xFFFF8000  }
0xb8: {  	_ =	swait.ge [sflag:s3], $0x8000  }
0xb9: {  	[sflag:s3] =	ssyncset.done $0x0  }
0xba: {  	[sflag:s3] =	ssyncadd.s32 $0xFFFF8000  }
0xbb: {  	_ =	swait.ge [sflag:s3], $0x8000  }
0xbc: {  	[sflag:s3] =	ssyncset.done $0x0  }
0xbd: {  	[sflag:s3] =	ssyncadd.s32 $0xFFFF8000  }
0xbe: {  	_ =	swait.ge [sflag:s3], $0x8000  }
0xbf: {  	[sflag:s3] =	ssyncset.done $0x0  }
0xc0: {  	[sflag:s3] =	ssyncadd.s32 $0xFFFF8000  }
0xc1: {  	_ =	swait.ge [sflag:s3], $0x8000  }
0xc2: {  	[sflag:s3] =	ssyncset.done $0x0  }
0xc3: {  	[sflag:s3] =	ssyncadd.s32 $0xFFFF8000  }
0xc4: {  	_ =	swait.ge [sflag:s3], $0x8000  }
0xc5: {  	[sflag:s3] =	ssyncset.done $0x0  }
0xc6: {  	[sflag:s3] =	ssyncadd.s32 $0xFFFF8000  }
0xc7: {  	_ =	swait.ge [sflag:s3], $0x8000  }
0xc8: {  	[sflag:s3] =	ssyncset.done $0x0  }
0xc9: {  	[sflag:s3] =	ssyncadd.s32 $0xFFFF8000  }
0xca: {  	_ =	swait.ge [sflag:s3], $0x8000  }
0xcb: {  	[sflag:s3] =	ssyncset.done $0x0  }
0xcc: {  	p1 =	sne.s32 s8, $0x1;
	[sflag:s3] =	ssyncadd.s32 $0xFFFF8000  }
.Ltmp1:
0xcd: {  	_ =	swait.ge [sflag:s3], $0x8000;
	(pc) =	sbr.rel @!p1 .LBB2_2-.Ltmp1, $4  }
0xce: {  	[sflag:s3] =	ssyncset.done $0x0  }
0xcf: {  	[sflag:s3] =	ssyncadd.s32 $0xFFFF8000  }
0xd0: {  	s8 =	sadd.s32 $0xFFFFFFFF, s8;
	_ =	swait.ge [sflag:s3], $0x8000  }
0xd1: {  	p0 =	por $0x1, $0x1;
	s17 =	rddreg [dreg:$0x3];
	[sflag:s3] =	ssyncset.done $0x0  }
.LBB2_3:
0xd2: {  	[sflag:s3] =	ssyncadd.s32 $0xFFFF8000  }
0xd3: {  	[tilespmem:s2], [sflag:$0x1] =	stream.linear.gather [hbm4b:s17+s2], $0x8000, $0x38;
	[tilespmem:$0x18000] =	vst v63  }
0xd4: {  	s18 =	rddreg [dreg:$0x4]  }
0xd5: {  	[tilespmem:s9], [sflag:$0x1] =	stream.linear.gather [hbm4b:s18+s2], $0x8000, $0x38;
	[tilespmem:$0x18000] =	vst v63  }
0xd6: {  	_ =	swait.ge [sflag:s10], $0x8000  }
0xd7: {  	[sflag:s10] =	ssyncset.done $0x0  }
0xd8: {  	s18 =	rddreg [dreg:$0x5];
	[sflag:s10] =	ssyncadd.s32 $0xFFFF8000  }
0xd9: {  	[hbm4b:s18+s2] =	stream.linear.scatter [tilespmem:s2], [sflag:$0x2], $0x8000, $0x38;
	[tilespmem:$0x18000] =	vst v63  }
0xda: {  	s18 =	rddreg [dreg:$0x13]  }
0xdb: {  	[hbm4b:s18+s2] =	stream.linear.scatter [tilespmem:s2], [sflag:$0x2], $0x8000, $0x38;
	[tilespmem:$0x18000] =	vst v63  }
0xdc: {  	_ = 	snop  }
0xdd: {  	[hbm4b:s19+s2] =	stream.linear.scatter [tilespmem:s2], [sflag:$0x2], $0x8000, $0x38;
	[tilespmem:$0x18000] =	vst v63  }
0xde: {  	_ = 	snop  }
0xdf: {  	[hbm4b:s20+s2] =	stream.linear.scatter [tilespmem:s2], [sflag:$0x2], $0x8000, $0x38;
	[tilespmem:$0x18000] =	vst v63  }
0xe0: {  	s18 =	rddreg [dreg:$0x6]  }
0xe1: {  	[tilespmem:s13], [sflag:$0x1] =	stream.linear.gather [hbm4b:s18+s2], $0x8000, $0x38;
	[tilespmem:$0x18000] =	vst v63  }
0xe2: {  	_ =	swait.ge [sflag:s10], $0x8000  }
0xe3: {  	[sflag:s10] =	ssyncset.done $0x0  }
0xe4: {  	s18 =	rddreg [dreg:$0x7];
	[sflag:s10] =	ssyncadd.s32 $0xFFFF8000  }
0xe5: {  	[hbm4b:s18+s2] =	stream.linear.scatter [tilespmem:s9], [sflag:$0x2], $0x8000, $0x38;
	[tilespmem:$0x18000] =	vst v63  }
0xe6: {  	_ = 	snop  }
0xe7: {  	[hbm4b:s21+s2] =	stream.linear.scatter [tilespmem:s9], [sflag:$0x2], $0x8000, $0x38;
	[tilespmem:$0x18000] =	vst v63  }
0xe8: {  	_ = 	snop  }
0xe9: {  	[hbm4b:s22+s2] =	stream.linear.scatter [tilespmem:s9], [sflag:$0x2], $0x8000, $0x38;
	[tilespmem:$0x18000] =	vst v63  }
0xea: {  	_ = 	snop  }
0xeb: {  	[hbm4b:s23+s2] =	stream.linear.scatter [tilespmem:s9], [sflag:$0x2], $0x8000, $0x38;
	[tilespmem:$0x18000] =	vst v63  }
0xec: {  	_ =	swait.ge [sflag:s3], $0x8000  }
0xed: {  	[sflag:s3] =	ssyncset.done $0x0  }
0xee: {  	[sflag:s3] =	ssyncadd.s32 $0xFFFF8000  }
0xef: {  	_ =	swait.ge [sflag:s3], $0x8000  }
0xf0: {  	[sflag:s3] =	ssyncset.done $0x0  }
0xf1: {  	[sflag:s3] =	ssyncadd.s32 $0xFFFF8000  }
0xf2: {  	_ =	swait.ge [sflag:s3], $0x8000  }
0xf3: {  	[sflag:s3] =	ssyncset.done $0x0  }
0xf4: {  	[sflag:s3] =	ssyncadd.s32 $0xFFFF8000  }
0xf5: {  	_ =	swait.ge [sflag:s3], $0x8000  }
0xf6: {  	[sflag:s3] =	ssyncset.done $0x0  }
0xf7: {  	s18 =	rddreg [dreg:$0x8];
	[sflag:s3] =	ssyncadd.s32 $0xFFFF8000  }
0xf8: {  	[tilespmem:s2], [sflag:$0x1] =	stream.linear.gather [hbm4b:s18+s2], $0x8000, $0x38;
	[tilespmem:$0x18000] =	vst v63  }
0xf9: {  	_ =	swait.ge [sflag:s10], $0x8000  }
0xfa: {  	[sflag:s10] =	ssyncset.done $0x0  }
0xfb: {  	s18 =	rddreg [dreg:$0x9];
	[sflag:s10] =	ssyncadd.s32 $0xFFFF8000  }
0xfc: {  	[hbm4b:s18+s2] =	stream.linear.scatter [tilespmem:s13], [sflag:$0x2], $0x8000, $0x38;
	[tilespmem:$0x18000] =	vst v63  }
0xfd: {  	_ = 	snop  }
0xfe: {  	[hbm4b:s24+s2] =	stream.linear.scatter [tilespmem:s13], [sflag:$0x2], $0x8000, $0x38;
	[tilespmem:$0x18000] =	vst v63  }
0xff: {  	_ = 	snop  }
0x100: {  	[hbm4b:s25+s2] =	stream.linear.scatter [tilespmem:s13], [sflag:$0x2], $0x8000, $0x38;
	[tilespmem:$0x18000] =	vst v63  }
0x101: {  	_ = 	snop  }
0x102: {  	[hbm4b:s26+s2] =	stream.linear.scatter [tilespmem:s13], [sflag:$0x2], $0x8000, $0x38;
	[tilespmem:$0x18000] =	vst v63  }
0x103: {  	_ =	swait.ge [sflag:s3], $0x8000  }
0x104: {  	[sflag:s3] =	ssyncset.done $0x0  }
0x105: {  	[sflag:s3] =	ssyncadd.s32 $0xFFFF8000  }
0x106: {  	_ =	swait.ge [sflag:s3], $0x8000  }
0x107: {  	[sflag:s3] =	ssyncset.done $0x0  }
0x108: {  	[sflag:s3] =	ssyncadd.s32 $0xFFFF8000  }
0x109: {  	_ =	swait.ge [sflag:s3], $0x8000  }
0x10a: {  	[sflag:s3] =	ssyncset.done $0x0  }
0x10b: {  	[sflag:s3] =	ssyncadd.s32 $0xFFFF8000  }
0x10c: {  	_ =	swait.ge [sflag:s3], $0x8000  }
0x10d: {  	[sflag:s3] =	ssyncset.done $0x0  }
0x10e: {  	s18 =	rddreg [dreg:$0xa];
	[sflag:s3] =	ssyncadd.s32 $0xFFFF8000  }
0x10f: {  	[tilespmem:s9], [sflag:$0x1] =	stream.linear.gather [hbm4b:s18+s2], $0x8000, $0x38;
	[tilespmem:$0x18000] =	vst v63  }
0x110: {  	_ =	swait.ge [sflag:s10], $0x8000  }
0x111: {  	[sflag:s10] =	ssyncset.done $0x0  }
0x112: {  	s18 =	rddreg [dreg:$0xb];
	[sflag:s10] =	ssyncadd.s32 $0xFFFF8000  }
0x113: {  	[hbm4b:s18+s2] =	stream.linear.scatter [tilespmem:s2], [sflag:$0x2], $0x8000, $0x38;
	[tilespmem:$0x18000] =	vst v63  }
0x114: {  	_ = 	snop  }
0x115: {  	[hbm4b:s28+s2] =	stream.linear.scatter [tilespmem:s2], [sflag:$0x2], $0x8000, $0x38;
	[tilespmem:$0x18000] =	vst v63  }
0x116: {  	_ = 	snop  }
0x117: {  	[hbm4b:s29+s2] =	stream.linear.scatter [tilespmem:s2], [sflag:$0x2], $0x8000, $0x38;
	[tilespmem:$0x18000] =	vst v63  }
0x118: {  	_ = 	snop  }
0x119: {  	[hbm4b:s30+s2] =	stream.linear.scatter [tilespmem:s2], [sflag:$0x2], $0x8000, $0x38;
	[tilespmem:$0x18000] =	vst v63  }
0x11a: {  	_ =	swait.ge [sflag:s3], $0x8000  }
0x11b: {  	[sflag:s3] =	ssyncset.done $0x0  }
0x11c: {  	[sflag:s3] =	ssyncadd.s32 $0xFFFF8000  }
0x11d: {  	_ =	swait.ge [sflag:s3], $0x8000  }
0x11e: {  	[sflag:s3] =	ssyncset.done $0x0  }
0x11f: {  	[sflag:s3] =	ssyncadd.s32 $0xFFFF8000  }
0x120: {  	_ =	swait.ge [sflag:s3], $0x8000  }
0x121: {  	[sflag:s3] =	ssyncset.done $0x0  }
0x122: {  	[sflag:s3] =	ssyncadd.s32 $0xFFFF8000  }
0x123: {  	_ =	swait.ge [sflag:s3], $0x8000  }
0x124: {  	[sflag:s3] =	ssyncset.done $0x0  }
0x125: {  	s18 =	rddreg [dreg:$0xc];
	[sflag:s3] =	ssyncadd.s32 $0xFFFF8000  }
0x126: {  	[tilespmem:s13], [sflag:$0x1] =	stream.linear.gather [hbm4b:s18+s2], $0x8000, $0x38;
	[tilespmem:$0x18000] =	vst v63  }
0x127: {  	_ =	swait.ge [sflag:s10], $0x8000  }
0x128: {  	[sflag:s10] =	ssyncset.done $0x0  }
0x129: {  	s18 =	rddreg [dreg:$0xd];
	[sflag:s10] =	ssyncadd.s32 $0xFFFF8000  }
0x12a: {  	[hbm4b:s18+s2] =	stream.linear.scatter [tilespmem:s9], [sflag:$0x2], $0x8000, $0x38;
	[tilespmem:$0x18000] =	vst v63  }
0x12b: {  	_ = 	snop  }
0x12c: {  	[hbm4b:s31+s2] =	stream.linear.scatter [tilespmem:s9], [sflag:$0x2], $0x8000, $0x38;
	[tilespmem:$0x18000] =	vst v63  }
0x12d: {  	_ = 	snop  }
0x12e: {  	[hbm4b:s0+s2] =	stream.linear.scatter [tilespmem:s9], [sflag:$0x2], $0x8000, $0x38;
	[tilespmem:$0x18000] =	vst v63  }
0x12f: {  	_ = 	snop  }
0x130: {  	[hbm4b:s1+s2] =	stream.linear.scatter [tilespmem:s9], [sflag:$0x2], $0x8000, $0x38;
	[tilespmem:$0x18000] =	vst v63  }
0x131: {  	_ =	swait.ge [sflag:s3], $0x8000  }
0x132: {  	[sflag:s3] =	ssyncset.done $0x0  }
0x133: {  	[sflag:s3] =	ssyncadd.s32 $0xFFFF8000  }
0x134: {  	_ =	swait.ge [sflag:s3], $0x8000  }
0x135: {  	[sflag:s3] =	ssyncset.done $0x0  }
0x136: {  	[sflag:s3] =	ssyncadd.s32 $0xFFFF8000  }
0x137: {  	_ =	swait.ge [sflag:s3], $0x8000  }
0x138: {  	[sflag:s3] =	ssyncset.done $0x0  }
0x139: {  	[sflag:s3] =	ssyncadd.s32 $0xFFFF8000  }
0x13a: {  	_ =	swait.ge [sflag:s3], $0x8000  }
0x13b: {  	[sflag:s3] =	ssyncset.done $0x0  }
0x13c: {  	s18 =	rddreg [dreg:$0xe];
	[sflag:s3] =	ssyncadd.s32 $0xFFFF8000  }
0x13d: {  	[tilespmem:s2], [sflag:$0x1] =	stream.linear.gather [hbm4b:s18+s2], $0x8000, $0x38;
	[tilespmem:$0x18000] =	vst v63  }
0x13e: {  	_ =	swait.ge [sflag:s10], $0x8000  }
0x13f: {  	[sflag:s10] =	ssyncset.done $0x0  }
0x140: {  	s18 =	rddreg [dreg:$0xf];
	[sflag:s10] =	ssyncadd.s32 $0xFFFF8000  }
0x141: {  	[hbm4b:s18+s2] =	stream.linear.scatter [tilespmem:s13], [sflag:$0x2], $0x8000, $0x38;
	[tilespmem:$0x18000] =	vst v63  }
0x142: {  	_ = 	snop  }
0x143: {  	[hbm4b:s4+s2] =	stream.linear.scatter [tilespmem:s13], [sflag:$0x2], $0x8000, $0x38;
	[tilespmem:$0x18000] =	vst v63  }
0x144: {  	_ = 	snop  }
0x145: {  	[hbm4b:s5+s2] =	stream.linear.scatter [tilespmem:s13], [sflag:$0x2], $0x8000, $0x38;
	[tilespmem:$0x18000] =	vst v63  }
0x146: {  	_ = 	snop  }
0x147: {  	[hbm4b:s11+s2] =	stream.linear.scatter [tilespmem:s13], [sflag:$0x2], $0x8000, $0x38;
	[tilespmem:$0x18000] =	vst v63  }
0x148: {  	_ =	swait.ge [sflag:s3], $0x8000  }
0x149: {  	[sflag:s3] =	ssyncset.done $0x0  }
0x14a: {  	[sflag:s3] =	ssyncadd.s32 $0xFFFF8000  }
0x14b: {  	_ =	swait.ge [sflag:s3], $0x8000  }
0x14c: {  	[sflag:s3] =	ssyncset.done $0x0  }
0x14d: {  	[sflag:s3] =	ssyncadd.s32 $0xFFFF8000  }
0x14e: {  	_ =	swait.ge [sflag:s3], $0x8000  }
0x14f: {  	[sflag:s3] =	ssyncset.done $0x0  }
0x150: {  	[sflag:s3] =	ssyncadd.s32 $0xFFFF8000  }
0x151: {  	_ =	swait.ge [sflag:s3], $0x8000  }
0x152: {  	[sflag:s3] =	ssyncset.done $0x0  }
0x153: {  	s18 =	rddreg [dreg:$0x10];
	[sflag:s3] =	ssyncadd.s32 $0xFFFF8000  }
0x154: {  	[tilespmem:s9], [sflag:$0x1] =	stream.linear.gather [hbm4b:s18+s2], $0x8000, $0x38;
	[tilespmem:$0x18000] =	vst v63  }
0x155: {  	_ =	swait.ge [sflag:s10], $0x8000  }
0x156: {  	[sflag:s10] =	ssyncset.done $0x0  }
0x157: {  	s18 =	rddreg [dreg:$0x11];
	[sflag:s10] =	ssyncadd.s32 $0xFFFF8000  }
0x158: {  	[hbm4b:s18+s2] =	stream.linear.scatter [tilespmem:s2], [sflag:$0x2], $0x8000, $0x38;
	[tilespmem:$0x18000] =	vst v63  }
0x159: {  	_ = 	snop  }
0x15a: {  	[hbm4b:s12+s2] =	stream.linear.scatter [tilespmem:s2], [sflag:$0x2], $0x8000, $0x38;
	[tilespmem:$0x18000] =	vst v63  }
0x15b: {  	_ = 	snop  }
0x15c: {  	[hbm4b:s14+s2] =	stream.linear.scatter [tilespmem:s2], [sflag:$0x2], $0x8000, $0x38;
	[tilespmem:$0x18000] =	vst v63  }
0x15d: {  	_ = 	snop  }
0x15e: {  	[hbm4b:s15+s2] =	stream.linear.scatter [tilespmem:s2], [sflag:$0x2], $0x8000, $0x38;
	[tilespmem:$0x18000] =	vst v63  }
0x15f: {  	_ =	swait.ge [sflag:s10], $0x8000  }
0x160: {  	[sflag:s10] =	ssyncset.done $0x0  }
0x161: {  	s18 =	rddreg [dreg:$0x12];
	[sflag:s10] =	ssyncadd.s32 $0xFFFF8000  }
0x162: {  	[hbm4b:s18+s2] =	stream.linear.scatter [tilespmem:s9], [sflag:$0x2], $0x8000, $0x38;
	[tilespmem:$0x18000] =	vst v63  }
0x163: {  	_ = 	snop  }
0x164: {  	[hbm4b:s16+s2] =	stream.linear.scatter [tilespmem:s9], [sflag:$0x2], $0x8000, $0x38;
	[tilespmem:$0x18000] =	vst v63  }
0x165: {  	_ = 	snop  }
0x166: {  	[hbm4b:s6+s2] =	stream.linear.scatter [tilespmem:s9], [sflag:$0x2], $0x8000, $0x38;
	[tilespmem:$0x18000] =	vst v63  }
0x167: {  	_ = 	snop  }
0x168: {  	[hbm4b:s7+s2] =	stream.linear.scatter [tilespmem:s9], [sflag:$0x2], $0x8000, $0x38;
	[tilespmem:$0x18000] =	vst v63  }
0x169: {  	_ =	swait.ge [sflag:s3], $0x8000  }
0x16a: {  	[sflag:s3] =	ssyncset.done $0x0  }
0x16b: {  	[sflag:s3] =	ssyncadd.s32 $0xFFFF8000  }
0x16c: {  	_ =	swait.ge [sflag:s3], $0x8000  }
0x16d: {  	[sflag:s3] =	ssyncset.done $0x0  }
0x16e: {  	[sflag:s3] =	ssyncadd.s32 $0xFFFF8000  }
0x16f: {  	_ =	swait.ge [sflag:s3], $0x8000  }
0x170: {  	[sflag:s3] =	ssyncset.done $0x0  }
0x171: {  	[sflag:s3] =	ssyncadd.s32 $0xFFFF8000  }
0x172: {  	_ =	swait.ge [sflag:s3], $0x8000  }
0x173: {  	[sflag:s3] =	ssyncset.done $0x0  }
0x174: {  	[sflag:s3] =	ssyncadd.s32 $0xFFFF8000  }
0x175: {  	_ =	swait.ge [sflag:s3], $0x8000  }
0x176: {  	[sflag:s3] =	ssyncset.done $0x0  }
0x177: {  	[sflag:s3] =	ssyncadd.s32 $0xFFFF8000  }
0x178: {  	_ =	swait.ge [sflag:s3], $0x8000  }
0x179: {  	[sflag:s3] =	ssyncset.done $0x0  }
0x17a: {  	[sflag:s3] =	ssyncadd.s32 $0xFFFF8000  }
0x17b: {  	_ =	swait.ge [sflag:s3], $0x8000  }
0x17c: {  	[sflag:s3] =	ssyncset.done $0x0  }
0x17d: {  	[sflag:s3] =	ssyncadd.s32 $0xFFFF8000  }
0x17e: {  	_ =	swait.ge [sflag:s3], $0x8000  }
0x17f: {  	[sflag:s3] =	ssyncset.done $0x0  }
0x180: {  	[sflag:s3] =	ssyncadd.s32 $0xFFFF8000  }
0x181: {  	_ =	swait.ge [sflag:s3], $0x8000  }
0x182: {  	[sflag:s3] =	ssyncset.done $0x0  }
0x183: {  	[sflag:s3] =	ssyncadd.s32 $0xFFFF8000  }
0x184: {  	_ =	swait.ge [sflag:s3], $0x8000  }
0x185: {  	[sflag:s3] =	ssyncset.done $0x0  }
0x186: {  	p1 =	sne.s32 s8, $0x1;
	[sflag:s3] =	ssyncadd.s32 $0xFFFF8000  }
.Ltmp2:
0x187: {  	_ =	swait.ge [sflag:s3], $0x8000;
	(pc) =	sbr.rel @p1 .LBB2_3-.Ltmp2, $4  }
0x188: {  	[sflag:s3] =	ssyncset.done $0x0  }
0x189: {  	[sflag:s3] =	ssyncadd.s32 $0xFFFF8000  }
0x18a: {  	_ =	swait.ge [sflag:s3], $0x8000  }
0x18b: {  	s8 =	sadd.s32 $0xFFFFFFFF, s8;
	s17 =	rddreg [dreg:$0x3];
	[sflag:s3] =	ssyncset.done $0x0  }
0x18c: {  	s6 =	rddreg [dreg:$0x2]  }
0x18d: {  	s18 =	rddreg [dreg:$0x14]  }
0x18e: {  	s15 =	rddreg [dreg:$0x15]  }
0x18f: {  	s16 =	rddreg [dreg:$0x16]  }
0x190: {  	s4 =	rddreg [dreg:$0x17]  }
0x191: {  	s5 =	rddreg [dreg:$0x18]  }
0x192: {  	s11 =	rddreg [dreg:$0x19]  }
0x193: {  	s12 =	rddreg [dreg:$0x1a]  }
0x194: {  	s14 =	rddreg [dreg:$0x1b]  }
0x195: {  	s26 =	rddreg [dreg:$0x1c]  }
0x196: {  	s23 =	rddreg [dreg:$0x1d]  }
0x197: {  	s7 =	stileid.u32;
	s20 =	rddreg [dreg:$0x1e]  }
.LBB2_5:
0x198: {  	[sflag:s3] =	ssyncadd.s32 @p0 $0xFFFF8000  }
0x199: {  	[tilespmem:s2], [sflag:$0x1] =	stream.linear.gather [hbm4b:s17+s2], $0x8000, $0x38;
	[tilespmem:$0x18000] =	vst v63  }
0x19a: {  	s0 =	rddreg [dreg:$0x4]  }
0x19b: {  	[tilespmem:s9], [sflag:$0x1] =	stream.linear.gather [hbm4b:s0+s2], $0x8000, $0x38;
	[tilespmem:$0x18000] =	vst v63  }
0x19c: {  	_ =	swait.ge [sflag:s10], $0x8000  }
0x19d: {  	[sflag:s10] =	ssyncset.done $0x0  }
0x19e: {  	s25 =	rddreg [dreg:$0x5];
	[sflag:s10] =	ssyncadd.s32 $0xFFFF8000  }
0x19f: {  	[hbm4b:s25+s2] =	stream.linear.scatter [tilespmem:s2], [sflag:$0x2], $0x8000, $0x38;
	[tilespmem:$0x18000] =	vst v63  }
0x1a0: {  	s28 =	sadd.s32 s20, s16  }
0x1a1: {  	[hbm4b:s28+s2] =	stream.linear.scatter [tilespmem:s2], [sflag:$0x2], $0x8000, $0x38;
	[tilespmem:$0x18000] =	vst v63  }
0x1a2: {  	s29 =	sadd.s32 s20, s5  }
0x1a3: {  	[hbm4b:s29+s2] =	stream.linear.scatter [tilespmem:s2], [sflag:$0x2], $0x8000, $0x38;
	[tilespmem:$0x18000] =	vst v63  }
0x1a4: {  	s30 =	sadd.s32 s20, s4  }
0x1a5: {  	[hbm4b:s30+s2] =	stream.linear.scatter [tilespmem:s2], [sflag:$0x2], $0x8000, $0x38;
	[tilespmem:$0x18000] =	vst v63  }
0x1a6: {  	s1 =	rddreg [dreg:$0x6]  }
0x1a7: {  	[tilespmem:s13], [sflag:$0x1] =	stream.linear.gather [hbm4b:s1+s2], $0x8000, $0x38;
	[tilespmem:$0x18000] =	vst v63  }
0x1a8: {  	_ =	swait.ge [sflag:s10], $0x8000  }
0x1a9: {  	[sflag:s10] =	ssyncset.done $0x0  }
0x1aa: {  	s31 =	rddreg [dreg:$0x7];
	[sflag:s10] =	ssyncadd.s32 $0xFFFF8000  }
0x1ab: {  	[hbm4b:s31+s2] =	stream.linear.scatter [tilespmem:s9], [sflag:$0x2], $0x8000, $0x38;
	[tilespmem:$0x18000] =	vst v63  }
0x1ac: {  	s1 =	sadd.s32 s23, s16  }
0x1ad: {  	[hbm4b:s1+s2] =	stream.linear.scatter [tilespmem:s9], [sflag:$0x2], $0x8000, $0x38;
	[tilespmem:$0x18000] =	vst v63  }
0x1ae: {  	s8 =	sadd.s32 s23, s5  }
0x1af: {  	[hbm4b:s8+s2] =	stream.linear.scatter [tilespmem:s9], [sflag:$0x2], $0x8000, $0x38;
	[tilespmem:$0x18000] =	vst v63  }
0x1b0: {  	s17 =	sadd.s32 s23, s4  }
0x1b1: {  	[hbm4b:s17+s2] =	stream.linear.scatter [tilespmem:s9], [sflag:$0x2], $0x8000, $0x38;
	[tilespmem:$0x18000] =	vst v63  }
0x1b2: {  	_ =	swait.ge [sflag:s3], $0x8000  }
0x1b3: {  	[sflag:s3] =	ssyncset.done $0x0  }
0x1b4: {  	[sflag:s3] =	ssyncadd.s32 $0xFFFF8000  }
0x1b5: {  	_ =	swait.ge [sflag:s3], $0x8000  }
0x1b6: {  	[sflag:s3] =	ssyncset.done $0x0  }
0x1b7: {  	[sflag:s3] =	ssyncadd.s32 $0xFFFF8000  }
0x1b8: {  	_ =	swait.ge [sflag:s3], $0x8000  }
0x1b9: {  	[sflag:s3] =	ssyncset.done $0x0  }
0x1ba: {  	[sflag:s3] =	ssyncadd.s32 $0xFFFF8000  }
0x1bb: {  	_ =	swait.ge [sflag:s3], $0x8000  }
0x1bc: {  	[sflag:s3] =	ssyncset.done $0x0  }
0x1bd: {  	s19 =	rddreg [dreg:$0x8];
	[sflag:s3] =	ssyncadd.s32 $0xFFFF8000  }
0x1be: {  	[tilespmem:s2], [sflag:$0x1] =	stream.linear.gather [hbm4b:s19+s2], $0x8000, $0x38;
	[tilespmem:$0x18000] =	vst v63  }
0x1bf: {  	_ =	swait.ge [sflag:s10], $0x8000  }
0x1c0: {  	[sflag:s10] =	ssyncset.done $0x0  }
0x1c1: {  	s20 =	rddreg [dreg:$0x9];
	[sflag:s10] =	ssyncadd.s32 $0xFFFF8000  }
0x1c2: {  	[hbm4b:s20+s2] =	stream.linear.scatter [tilespmem:s13], [sflag:$0x2], $0x8000, $0x38;
	[tilespmem:$0x18000] =	vst v63  }
0x1c3: {  	s21 =	sadd.s32 s26, s16  }
0x1c4: {  	[hbm4b:s21+s2] =	stream.linear.scatter [tilespmem:s13], [sflag:$0x2], $0x8000, $0x38;
	[tilespmem:$0x18000] =	vst v63  }
0x1c5: {  	s22 =	sadd.s32 s26, s5  }
0x1c6: {  	[hbm4b:s22+s2] =	stream.linear.scatter [tilespmem:s13], [sflag:$0x2], $0x8000, $0x38;
	[tilespmem:$0x18000] =	vst v63  }
0x1c7: {  	s23 =	sadd.s32 s26, s4  }
0x1c8: {  	[hbm4b:s23+s2] =	stream.linear.scatter [tilespmem:s13], [sflag:$0x2], $0x8000, $0x38;
	[tilespmem:$0x18000] =	vst v63  }
0x1c9: {  	_ =	swait.ge [sflag:s3], $0x8000  }
0x1ca: {  	[sflag:s3] =	ssyncset.done $0x0  }
0x1cb: {  	[sflag:s3] =	ssyncadd.s32 $0xFFFF8000  }
0x1cc: {  	_ =	swait.ge [sflag:s3], $0x8000  }
0x1cd: {  	[sflag:s3] =	ssyncset.done $0x0  }
0x1ce: {  	[sflag:s3] =	ssyncadd.s32 $0xFFFF8000  }
0x1cf: {  	_ =	swait.ge [sflag:s3], $0x8000  }
0x1d0: {  	[sflag:s3] =	ssyncset.done $0x0  }
0x1d1: {  	[sflag:s3] =	ssyncadd.s32 $0xFFFF8000  }
0x1d2: {  	_ =	swait.ge [sflag:s3], $0x8000  }
0x1d3: {  	[sflag:s3] =	ssyncset.done $0x0  }
0x1d4: {  	s24 =	rddreg [dreg:$0xa];
	[sflag:s3] =	ssyncadd.s32 $0xFFFF8000  }
0x1d5: {  	[tilespmem:s9], [sflag:$0x1] =	stream.linear.gather [hbm4b:s24+s2], $0x8000, $0x38;
	[tilespmem:$0x18000] =	vst v63  }
0x1d6: {  	_ =	swait.ge [sflag:s10], $0x8000  }
0x1d7: {  	[sflag:s10] =	ssyncset.done $0x0  }
0x1d8: {  	s25 =	rddreg [dreg:$0xb];
	[sflag:s10] =	ssyncadd.s32 $0xFFFF8000  }
0x1d9: {  	[hbm4b:s25+s2] =	stream.linear.scatter [tilespmem:s2], [sflag:$0x2], $0x8000, $0x38;
	[tilespmem:$0x18000] =	vst v63  }
0x1da: {  	s26 =	sadd.s32 s14, s16  }
0x1db: {  	[hbm4b:s26+s2] =	stream.linear.scatter [tilespmem:s2], [sflag:$0x2], $0x8000, $0x38;
	[tilespmem:$0x18000] =	vst v63  }
0x1dc: {  	s28 =	sadd.s32 s14, s5  }
0x1dd: {  	[hbm4b:s28+s2] =	stream.linear.scatter [tilespmem:s2], [sflag:$0x2], $0x8000, $0x38;
	[tilespmem:$0x18000] =	vst v63  }
0x1de: {  	s29 =	sadd.s32 s14, s4  }
0x1df: {  	[hbm4b:s29+s2] =	stream.linear.scatter [tilespmem:s2], [sflag:$0x2], $0x8000, $0x38;
	[tilespmem:$0x18000] =	vst v63  }
0x1e0: {  	_ =	swait.ge [sflag:s3], $0x8000  }
0x1e1: {  	[sflag:s3] =	ssyncset.done $0x0  }
0x1e2: {  	[sflag:s3] =	ssyncadd.s32 $0xFFFF8000  }
0x1e3: {  	_ =	swait.ge [sflag:s3], $0x8000  }
0x1e4: {  	[sflag:s3] =	ssyncset.done $0x0  }
0x1e5: {  	[sflag:s3] =	ssyncadd.s32 $0xFFFF8000  }
0x1e6: {  	_ =	swait.ge [sflag:s3], $0x8000  }
0x1e7: {  	[sflag:s3] =	ssyncset.done $0x0  }
0x1e8: {  	[sflag:s3] =	ssyncadd.s32 $0xFFFF8000  }
0x1e9: {  	_ =	swait.ge [sflag:s3], $0x8000  }
0x1ea: {  	[sflag:s3] =	ssyncset.done $0x0  }
0x1eb: {  	s30 =	rddreg [dreg:$0xc];
	[sflag:s3] =	ssyncadd.s32 $0xFFFF8000  }
0x1ec: {  	[tilespmem:s13], [sflag:$0x1] =	stream.linear.gather [hbm4b:s30+s2], $0x8000, $0x38;
	[tilespmem:$0x18000] =	vst v63  }
0x1ed: {  	_ =	swait.ge [sflag:s10], $0x8000  }
0x1ee: {  	[sflag:s10] =	ssyncset.done $0x0  }
0x1ef: {  	s31 =	rddreg [dreg:$0xd];
	[sflag:s10] =	ssyncadd.s32 $0xFFFF8000  }
0x1f0: {  	[hbm4b:s31+s2] =	stream.linear.scatter [tilespmem:s9], [sflag:$0x2], $0x8000, $0x38;
	[tilespmem:$0x18000] =	vst v63  }
0x1f1: {  	s1 =	sadd.s32 s12, s16  }
0x1f2: {  	[hbm4b:s1+s2] =	stream.linear.scatter [tilespmem:s9], [sflag:$0x2], $0x8000, $0x38;
	[tilespmem:$0x18000] =	vst v63  }
0x1f3: {  	s8 =	sadd.s32 s12, s5  }
0x1f4: {  	[hbm4b:s8+s2] =	stream.linear.scatter [tilespmem:s9], [sflag:$0x2], $0x8000, $0x38;
	[tilespmem:$0x18000] =	vst v63  }
0x1f5: {  	s12 =	sadd.s32 s12, s4  }
0x1f6: {  	[hbm4b:s12+s2] =	stream.linear.scatter [tilespmem:s9], [sflag:$0x2], $0x8000, $0x38;
	[tilespmem:$0x18000] =	vst v63  }
0x1f7: {  	_ =	swait.ge [sflag:s3], $0x8000  }
0x1f8: {  	[sflag:s3] =	ssyncset.done $0x0  }
0x1f9: {  	[sflag:s3] =	ssyncadd.s32 $0xFFFF8000  }
0x1fa: {  	_ =	swait.ge [sflag:s3], $0x8000  }
0x1fb: {  	[sflag:s3] =	ssyncset.done $0x0  }
0x1fc: {  	[sflag:s3] =	ssyncadd.s32 $0xFFFF8000  }
0x1fd: {  	_ =	swait.ge [sflag:s3], $0x8000  }
0x1fe: {  	[sflag:s3] =	ssyncset.done $0x0  }
0x1ff: {  	[sflag:s3] =	ssyncadd.s32 $0xFFFF8000  }
0x200: {  	_ =	swait.ge [sflag:s3], $0x8000  }
0x201: {  	[sflag:s3] =	ssyncset.done $0x0  }
0x202: {  	s14 =	rddreg [dreg:$0xe];
	[sflag:s3] =	ssyncadd.s32 $0xFFFF8000  }
0x203: {  	[tilespmem:s2], [sflag:$0x1] =	stream.linear.gather [hbm4b:s14+s2], $0x8000, $0x38;
	[tilespmem:$0x18000] =	vst v63  }
0x204: {  	_ =	swait.ge [sflag:s10], $0x8000  }
0x205: {  	[sflag:s10] =	ssyncset.done $0x0  }
0x206: {  	s17 =	rddreg [dreg:$0xf];
	[sflag:s10] =	ssyncadd.s32 $0xFFFF8000  }
0x207: {  	[hbm4b:s17+s2] =	stream.linear.scatter [tilespmem:s13], [sflag:$0x2], $0x8000, $0x38;
	[tilespmem:$0x18000] =	vst v63  }
0x208: {  	s19 =	sadd.s32 s11, s16  }
0x209: {  	[hbm4b:s19+s2] =	stream.linear.scatter [tilespmem:s13], [sflag:$0x2], $0x8000, $0x38;
	[tilespmem:$0x18000] =	vst v63  }
0x20a: {  	s20 =	sadd.s32 s11, s5  }
0x20b: {  	[hbm4b:s20+s2] =	stream.linear.scatter [tilespmem:s13], [sflag:$0x2], $0x8000, $0x38;
	[tilespmem:$0x18000] =	vst v63  }
0x20c: {  	s21 =	sadd.s32 s11, s4  }
0x20d: {  	[hbm4b:s21+s2] =	stream.linear.scatter [tilespmem:s13], [sflag:$0x2], $0x8000, $0x38;
	[tilespmem:$0x18000] =	vst v63  }
0x20e: {  	_ =	swait.ge [sflag:s3], $0x8000  }
0x20f: {  	[sflag:s3] =	ssyncset.done $0x0  }
0x210: {  	[sflag:s3] =	ssyncadd.s32 $0xFFFF8000  }
0x211: {  	_ =	swait.ge [sflag:s3], $0x8000  }
0x212: {  	[sflag:s3] =	ssyncset.done $0x0  }
0x213: {  	[sflag:s3] =	ssyncadd.s32 $0xFFFF8000  }
0x214: {  	_ =	swait.ge [sflag:s3], $0x8000  }
0x215: {  	[sflag:s3] =	ssyncset.done $0x0  }
0x216: {  	[sflag:s3] =	ssyncadd.s32 $0xFFFF8000  }
0x217: {  	_ =	swait.ge [sflag:s3], $0x8000  }
0x218: {  	[sflag:s3] =	ssyncset.done $0x0  }
0x219: {  	s22 =	rddreg [dreg:$0x10];
	[sflag:s3] =	ssyncadd.s32 $0xFFFF8000  }
0x21a: {  	[tilespmem:s9], [sflag:$0x1] =	stream.linear.gather [hbm4b:s22+s2], $0x8000, $0x38;
	[tilespmem:$0x18000] =	vst v63  }
0x21b: {  	_ =	swait.ge [sflag:s10], $0x8000  }
0x21c: {  	[sflag:s10] =	ssyncset.done $0x0  }
0x21d: {  	s23 =	rddreg [dreg:$0x11];
	[sflag:s10] =	ssyncadd.s32 $0xFFFF8000  }
0x21e: {  	[hbm4b:s23+s2] =	stream.linear.scatter [tilespmem:s2], [sflag:$0x2], $0x8000, $0x38;
	[tilespmem:$0x18000] =	vst v63  }
0x21f: {  	s24 =	sadd.s32 s15, s16  }
0x220: {  	[hbm4b:s24+s2] =	stream.linear.scatter [tilespmem:s2], [sflag:$0x2], $0x8000, $0x38;
	[tilespmem:$0x18000] =	vst v63  }
0x221: {  	s25 =	sadd.s32 s15, s5  }
0x222: {  	[hbm4b:s25+s2] =	stream.linear.scatter [tilespmem:s2], [sflag:$0x2], $0x8000, $0x38;
	[tilespmem:$0x18000] =	vst v63  }
0x223: {  	s26 =	sadd.s32 s15, s4  }
0x224: {  	[hbm4b:s26+s2] =	stream.linear.scatter [tilespmem:s2], [sflag:$0x2], $0x8000, $0x38;
	[tilespmem:$0x18000] =	vst v63  }
0x225: {  	_ =	swait.ge [sflag:s10], $0x8000  }
0x226: {  	[sflag:s10] =	ssyncset.done $0x0  }
0x227: {  	s28 =	rddreg [dreg:$0x12];
	[sflag:s10] =	ssyncadd.s32 $0xFFFF8000  }
0x228: {  	[hbm4b:s28+s2] =	stream.linear.scatter [tilespmem:s9], [sflag:$0x2], $0x8000, $0x38;
	[tilespmem:$0x18000] =	vst v63  }
0x229: {  	s29 =	sadd.s32 s18, s16  }
0x22a: {  	[hbm4b:s29+s2] =	stream.linear.scatter [tilespmem:s9], [sflag:$0x2], $0x8000, $0x38;
	[tilespmem:$0x18000] =	vst v63  }
0x22b: {  	s30 =	sadd.s32 s18, s5  }
0x22c: {  	[hbm4b:s30+s2] =	stream.linear.scatter [tilespmem:s9], [sflag:$0x2], $0x8000, $0x38;
	[tilespmem:$0x18000] =	vst v63  }
0x22d: {  	s31 =	sadd.s32 s18, s4  }
0x22e: {  	[hbm4b:s31+s2] =	stream.linear.scatter [tilespmem:s9], [sflag:$0x2], $0x8000, $0x38;
	[tilespmem:$0x18000] =	vst v63  }
0x22f: {  	_ =	swait.ge [sflag:s3], $0x8000  }
0x230: {  	[sflag:s3] =	ssyncset.done $0x0  }
0x231: {  	[sflag:s3] =	ssyncadd.s32 $0xFFFF8000  }
0x232: {  	_ =	swait.ge [sflag:s3], $0x8000  }
0x233: {  	[sflag:s3] =	ssyncset.done $0x0  }
0x234: {  	[sflag:s3] =	ssyncadd.s32 $0xFFFF8000  }
0x235: {  	_ =	swait.ge [sflag:s3], $0x8000  }
0x236: {  	[sflag:s3] =	ssyncset.done $0x0  }
0x237: {  	[sflag:s3] =	ssyncadd.s32 $0xFFFF8000  }
0x238: {  	_ =	swait.ge [sflag:s3], $0x8000  }
0x239: {  	[sflag:s3] =	ssyncset.done $0x0  }
0x23a: {  	[sflag:s3] =	ssyncadd.s32 $0xFFFF8000  }
0x23b: {  	_ =	swait.ge [sflag:s3], $0x8000  }
0x23c: {  	[sflag:s3] =	ssyncset.done $0x0  }
0x23d: {  	[sflag:s3] =	ssyncadd.s32 $0xFFFF8000  }
0x23e: {  	_ =	swait.ge [sflag:s3], $0x8000  }
0x23f: {  	[sflag:s3] =	ssyncset.done $0x0  }
0x240: {  	[sflag:s3] =	ssyncadd.s32 $0xFFFF8000  }
0x241: {  	_ =	swait.ge [sflag:s3], $0x8000  }
0x242: {  	[sflag:s3] =	ssyncset.done $0x0  }
0x243: {  	[sflag:s3] =	ssyncadd.s32 $0xFFFF8000  }
0x244: {  	_ =	swait.ge [sflag:s3], $0x8000  }
0x245: {  	[sflag:s3] =	ssyncset.done $0x0  }
0x246: {  	[sflag:s3] =	ssyncadd.s32 $0xFFFF8000  }
0x247: {  	_ =	swait.ge [sflag:s3], $0x8000  }
0x248: {  	[sflag:s3] =	ssyncset.done $0x0  }
0x249: {  	[sflag:s3] =	ssyncadd.s32 $0xFFFF8000  }
0x24a: {  	_ =	swait.ge [sflag:s3], $0x8000  }
0x24b: {  	[sflag:s3] =	ssyncset.done $0x0  }
0x24c: {  	[sflag:s3] =	ssyncadd.s32 $0xFFFF8000  }
0x24d: {  	_ =	swait.ge [sflag:s3], $0x8000  }
0x24e: {  	[sflag:s3] =	ssyncset.done $0x0  }
0x24f: {  	[sflag:s3] =	ssyncadd.s32 $0xFFFF8000  }
0x250: {  	_ =	swait.ge [sflag:s3], $0x8000  }
0x251: {  	[sflag:s3] =	ssyncset.done $0x0  }
0x252: {  	[sflag:s3] =	ssyncadd.s32 $0xFFFF8000  }
0x253: {  	_ =	sfence.sel $0x180000  }
0x254: {  	[bflag:$0x0] =	sbarrier.arrive $0xFFFF  }
0x255: {  	p0 =	sne.s32 s7, $0x0;
	_ =	strace $0x90000047  }
0x256: {  	s0 =	sadd.s32 @!p0 $0x100000, s6;
	[bflag:$0x2] =	sbarrier.arrive $0xFFFF  }
0x257: {  	[sflag:s0] =	ssyncadd.tile.s32 @!p0 $0x1;
	_ =	shalt  }
.LBB2_2:
0x258: {  	s6 =	rddreg [dreg:$0x2]  }
0x259: {  	s18 =	rddreg [dreg:$0x14]  }
0x25a: {  	s15 =	rddreg [dreg:$0x15]  }
0x25b: {  	s16 =	rddreg [dreg:$0x16]  }
0x25c: {  	s4 =	rddreg [dreg:$0x17]  }
0x25d: {  	s5 =	rddreg [dreg:$0x18]  }
0x25e: {  	s11 =	rddreg [dreg:$0x19]  }
.Ltmp3:
0x25f: {  	s12 =	rddreg [dreg:$0x1a];
	(pc) =	sbr.rel .LBB2_5-.Ltmp3, $4  }
0x260: {  	s14 =	rddreg [dreg:$0x1b]  }
0x261: {  	s26 =	rddreg [dreg:$0x1c]  }
0x262: {  	s23 =	rddreg [dreg:$0x1d]  }
0x263: {  	s7 =	stileid.u32;
	s20 =	rddreg [dreg:$0x1e]  }
.Lfunc_end2:
_tile_overlayer_lowered:
.L_overlay_start_2:
0x264: {  	(tag) =	ssettag $0x2  }
0x265: {  	s0 =	rddreg [dreg:$0x0];
	s2 =	stileid.u32  }
0x266: {  	s1 =	rddreg [dreg:$0x1];
	p0 =	sne.s32 s2, $0x0  }
0x267: {  	s3 =	rddreg [dreg:$0x2];
	[bflag:$0x3] =	sbarrier.arrive $0xFFFF;
	s2 =	simm.s32 @!p0 $0x1C03  }
0x268: {  	[timem:s3], [sflag:s2] =	dma.local @!p0 [hbm:s0], s1  }
0x269: {  	s0 =	simm.s32 @!p0 $0x3  }
0x26a: {  	_ =	swait.ge @!p0 [sflag:s0], s1  }
0x26b: {  	s1 =	ssub.s32 @!p0 $0x0, s1;
	[sflag:s0] =	ssyncset.done @!p0 $0x0  }
0x26c: {  	[sflag:s0] =	ssyncadd.s32 @!p0 s1  }
0x26d: {  	[bflag:$0x3] =	sbarrier.arrive $0xFFFF  }
0x26e: {  	_ =	shalt  }

</sc_bundles>
